<compile_context>
chip_gen: v7x
topology: tpu7x:2x2x1
jax: 0.10.2.dev20260603
libtpu: 0.0.44.dev20260713+nightly
codegen_flags: <defaults>
</compile_context>

<pallas_src>
import functools

import jax
import jax.numpy as jnp
from jax import lax
from jax.experimental import pallas as pl
from jax.experimental.pallas import tpu as pltpu
from jax.experimental.pallas import tpu_sc as plsc

_LANES = 128
_CONTRACT_MINOR = (((1,), (1,)), ((), ()))



def _assign_body(z_ref, wpre_ref, bpre_ref, cb_ref, tok_ref, zn_ref):
    zb4 = z_ref[...]
    r = zb4.shape[1] * zb4.shape[2]
    zb = zb4.reshape(r, zb4.shape[3])
    zp = lax.dot_general(zb, wpre_ref[...], _CONTRACT_MINOR,
                         preferred_element_type=jnp.float32) + bpre_ref[...]
    norm = jnp.sqrt(jnp.sum(zp * zp, axis=1, keepdims=True))
    zn = zp / jnp.maximum(norm, 1e-12)
    zn_ref[...] = zn
    c = cb_ref.shape[0]
    chunk = 2048 if c % 2048 == 0 else c
    m_run = None
    g_run = jnp.zeros((r, _LANES), jnp.int32)
    for q2 in range(c // chunk):
        sq = lax.dot_general(zn, cb_ref[pl.ds(q2 * chunk, chunk), :],
                             _CONTRACT_MINOR,
                             preferred_element_type=jnp.float32)
        for g in range(chunk // _LANES):
            sg = sq[:, g * _LANES:(g + 1) * _LANES]
            gg = q2 * (chunk // _LANES) + g
            if m_run is None:
                m_run = sg
                continue
            gt = sg > m_run
            m_run = jnp.where(gt, sg, m_run)
            g_run = jnp.where(gt, gg, g_run)

    lane = lax.broadcasted_iota(jnp.int32, (r, _LANES), 1)
    full_idx = g_run * _LANES + lane
    maxv = jnp.max(m_run, axis=1, keepdims=True)
    eq = m_run == maxv
    tok = jnp.min(jnp.where(eq, full_idx, jnp.int32(0x7FFFFFFF)), axis=1)
    tok_ref[...] = tok.reshape(tok_ref.shape)


def _assign(z4, wpre, bpre, cb, tb):
    b, t, k, d = z4.shape
    e = wpre.shape[0]
    n = b * t * k
    r = tb * k
    nt = t // tb
    tok4, zn = pl.pallas_call(
        _assign_body,
        grid=(b, nt),
        in_specs=[
            pl.BlockSpec((1, tb, k, d), lambda i, j: (i, j, 0, 0)),
            pl.BlockSpec(wpre.shape, lambda i, j: (0, 0)),
            pl.BlockSpec((1, e), lambda i, j: (0, 0)),
            pl.BlockSpec(cb.shape, lambda i, j: (0, 0)),
        ],
        out_specs=[
            pl.BlockSpec((1, 1, 1, r), lambda i, j: (i, j, 0, 0)),
            pl.BlockSpec((r, e), lambda i, j: (i * nt + j, 0)),
        ],
        out_shape=[
            jax.ShapeDtypeStruct((b, nt, 1, r), jnp.int32),
            jax.ShapeDtypeStruct((n, e), jnp.float32),
        ],
    )(z4, wpre, bpre, cb)
    return tok4.reshape(n), zn



def _make_gather(d, n):
    info = plsc.get_sparse_core_info()
    nw = info.num_cores * info.num_subcores
    b_per_w = n // nw
    ch = 128
    nch = b_per_w // ch
    mesh = plsc.VectorSubcoreMesh(core_axis_name="c", subcore_axis_name="s")

    @functools.partial(
        pl.kernel, mesh=mesh,
        out_type=jax.ShapeDtypeStruct((n, d), jnp.float32),
        scratch_types=[
            pltpu.VMEM((b_per_w,), jnp.int32),
            pltpu.VMEM((2, ch, d), jnp.float32),
            pltpu.SemaphoreType.DMA,
            pltpu.SemaphoreType.DMA,
        ],
    )
    def gk(cb_hbm, idx_hbm, q_hbm, idx_v, bufs_v, sem_g, sem_o):
        wid = lax.axis_index("s") * info.num_cores + lax.axis_index("c")
        base = wid * b_per_w

        def gather(j):
            return pltpu.async_copy(cb_hbm.at[idx_v.at[pl.ds(j * ch, ch)]],
                                    bufs_v.at[j % 2], sem_g)

        def put(j):
            return pltpu.async_copy(bufs_v.at[j % 2],
                                    q_hbm.at[pl.ds(base + j * ch, ch)],
                                    sem_o)

        pltpu.sync_copy(idx_hbm.at[pl.ds(base, b_per_w)], idx_v)
        g = [None] * nch
        o = [None] * nch
        g[0] = gather(0)
        g[1] = gather(1)
        for j in range(nch):
            if j >= 1:
                o[j - 1].wait()
                if j + 1 < nch:
                    g[j + 1] = gather(j + 1)
            g[j].wait()
            o[j] = put(j)
        o[nch - 1].wait()

    return gk



def _out_body(q_ref, zn_ref, wpost_ref, bpost_ref, out_ref, loss_ref):
    i = pl.program_id(0)
    j = pl.program_id(1)
    e = zn_ref.shape[1]
    q = q_ref[...][:, :e]
    res = lax.dot_general(q, wpost_ref[...], _CONTRACT_MINOR,
                          preferred_element_type=jnp.float32) + bpost_ref[...]
    out_ref[...] = res.reshape(out_ref.shape)
    dd = zn_ref[...] - q

    @pl.when(jnp.logical_and(i == 0, j == 0))
    def _():
        loss_ref[...] = jnp.zeros(loss_ref.shape, loss_ref.dtype)

    loss_ref[...] = loss_ref[...] + jnp.sum(dd * dd)


def _project_out(q, zn, wpost, bpost, b, t, k, tb):
    n, ep = q.shape
    e = zn.shape[1]
    d = wpost.shape[0]
    r = tb * k
    nt = t // tb
    out, loss_sum = pl.pallas_call(
        _out_body,
        grid=(b, nt),
        in_specs=[
            pl.BlockSpec((r, ep), lambda i, j: (i * nt + j, 0)),
            pl.BlockSpec((r, e), lambda i, j: (i * nt + j, 0)),
            pl.BlockSpec(wpost.shape, lambda i, j: (0, 0)),
            pl.BlockSpec((1, d), lambda i, j: (0, 0)),
        ],
        out_specs=[
            pl.BlockSpec((1, tb, k, d), lambda i, j: (i, j, 0, 0)),
            pl.BlockSpec((1, 1), lambda i, j: (0, 0)),
        ],
        out_shape=[
            jax.ShapeDtypeStruct((b, t, k, d), jnp.float32),
            jax.ShapeDtypeStruct((1, 1), jnp.float32),
        ],
    )(q, zn, wpost, bpost)
    return out, loss_sum



def kernel(z, W_pre, b_pre, codebook, W_post, b_post):
    B, T, K, D = z.shape
    C, E = codebook.shape
    N = B * T * K
    TB = 576

    tokens, zn = _assign(z, W_pre, b_pre.reshape(1, E), codebook, tb=TB)

    cb_pad = jnp.pad(codebook, ((0, 0), (0, _LANES - E)))
    gk = _make_gather(_LANES, N)
    q = gk(cb_pad, tokens)

    out, loss_sum = _project_out(q, zn, W_post, b_post.reshape(1, D),
                                 B, T, K, tb=576)
    commitment_loss = loss_sum[0, 0] * (0.02 / (N * E))
    return (out, tokens.reshape(B, T, K), commitment_loss)

# --- scband reference (transcript-rebuilt; emitter-appended) ---
"""Pipeline reference for scband-quantizer-5995774345935 (READ-ONLY COPY).

The authoritative reference and input builder live on the scoring server;
editing this copy changes nothing except your own understanding.
"""

import jax, jax.numpy as jnp
import numpy as np


def setup_inputs(seed: int = 0) -> dict:
    key = jax.random.key(seed)
    ks = jax.random.split(key, 4)
    B, T, K, D = 16, 576, 4, 768
    CS, CD = 8192, 32
    z = jax.random.normal(ks[0], (B, T, K, D), dtype=jnp.float32)
    W_pre = jax.random.normal(ks[1], (CD, D), dtype=jnp.float32) / np.sqrt(D)
    b_pre = jnp.zeros((CD,), dtype=jnp.float32)
    codebook = jax.random.uniform(ks[2], (CS, CD), dtype=jnp.float32, minval=-1.0 / CS, maxval=1.0 / CS)
    W_post = jax.random.normal(ks[3], (D, CD), dtype=jnp.float32) / np.sqrt(CD)
    b_post = jnp.zeros((D,), dtype=jnp.float32)
    return {"z": z, "W_pre": W_pre, "b_pre": b_pre, "codebook": codebook, "W_post": W_post, "b_post": b_post}


def reference(z, W_pre, b_pre, codebook, W_post, b_post):
    # Quantizer.forward (eval mode: no codebook update / metrics)
    B, T, K, _ = z.shape
    zp = jnp.einsum('btkd,ed->btke', z, W_pre) + b_pre          # pre_quant_proj
    norm = jnp.clip(jnp.linalg.norm(zp, axis=-1, keepdims=True), 1e-12)
    zn = zp / norm                                               # F.normalize(dim=-1)
    zf = zn.reshape(-1, zn.shape[-1])                            # (b t k) e
    cos = zf @ codebook.T                                        # n c cosine similarity
    tokens = jnp.argmax(cos, axis=-1)                            # n
    q = jnp.take(codebook, tokens, axis=0)                       # gather codewords
    commitment_loss = 0.02 * jnp.mean((zf - jax.lax.stop_gradient(q)) ** 2)
    q_st = zf + jax.lax.stop_gradient(q - zf)                    # straight-through
    out = q_st @ W_post.T + b_post                               # post_quant_proj
    out = out.reshape(B, T, K, -1)
    tokens = tokens.reshape(B, T, K)
    return (out, tokens, commitment_loss)

if __name__ == "__main__":
    import jax
    _d = setup_inputs()
    print(jax.jit(kernel)(*tuple(_d.values())))

</pallas_src>

<mosaic_0001>
#map = affine_map<(d0, d1) -> (0, 0)>
#map1 = affine_map<(d0, d1) -> (0)>
module attributes {stable_mosaic.version = 14 : i64} {
  func.func @gk(%arg0: i32, %arg1: i32, %arg2: memref<8192x128xf32, #tpu.memory_space<hbm>>, %arg3: memref<36864xi32, #tpu.memory_space<hbm>>, %arg4: memref<36864x128xf32, #tpu.memory_space<hbm>>, %arg5: memref<1152xi32, #tpu.memory_space<vmem>>, %arg6: memref<2x128x128xf32, #tpu.memory_space<vmem>>, %arg7: memref<!tpu.dma_semaphore, #tpu.memory_space<semaphore_mem>>, %arg8: memref<!tpu.dma_semaphore, #tpu.memory_space<semaphore_mem>>) attributes {dimension_semantics = [#tpu.dimension_semantics<core_parallel>, #tpu.dimension_semantics<subcore_parallel>], iteration_bounds = array<i64: 2, 16>, scalar_prefetch = 0 : i64, scratch_operands = 4 : i64, tpu.core_type = #tpu.core_type<sc_vector_subcore>, window_params = [{transform_indices = #map}, {transform_indices = #map1}, {transform_indices = #map}]} {
    %mul3A = arith.constant 2 : i32
    %mul3A_0 = arith.muli %arg1, %mul3A : i32
    %add3A = arith.addi %mul3A_0, %arg0 : i32
    %mul3A_1 = arith.constant 1152 : i32
    %mul3A_2 = arith.muli %add3A, %mul3A_1 : i32
    "tpu.region"() ({
      %run_scoped3A = tpu.sem_alloc : memref<!tpu.dma_semaphore, #tpu.memory_space<semaphore_mem>>
      %dma_start3A_433 = tpu.memref_slice %arg3[%mul3A_2] : memref<36864xi32, #tpu.memory_space<hbm>> -> memref<1152xi32, #tpu.memory_space<hbm>>
      %dma_start3A_434 = tpu.memref_slice %arg3[%mul3A_2] : memref<36864xi32, #tpu.memory_space<hbm>> -> memref<1152xi32, #tpu.memory_space<hbm>>
      tpu.enqueue_dma source(%dma_start3A_434 : memref<1152xi32, #tpu.memory_space<hbm>>) target(%arg5 : memref<1152xi32, #tpu.memory_space<vmem>>) target_semaphore(%run_scoped3A : memref<!tpu.dma_semaphore, #tpu.memory_space<semaphore_mem>>)
      %dma_wait3A_435 = tpu.memref_slice %arg3[%mul3A_2] : memref<36864xi32, #tpu.memory_space<hbm>> -> memref<1152xi32, #tpu.memory_space<hbm>>
      %dma_wait3A_436 = tpu.memref_slice %arg3[%mul3A_2] : memref<36864xi32, #tpu.memory_space<hbm>> -> memref<1152xi32, #tpu.memory_space<hbm>>
      tpu.wait_dma2 semaphore(%run_scoped3A : memref<!tpu.dma_semaphore, #tpu.memory_space<semaphore_mem>>) src(%dma_wait3A_436 : memref<1152xi32, #tpu.memory_space<hbm>>) dst(%arg5 : memref<1152xi32, #tpu.memory_space<vmem>>)
      tpu.yield
    }) : () -> ()
    %dma_start3A = arith.constant 0 : i32
    %dma_start3A_3 = arith.constant 0 : i32
    %dma_start3A_4 = arith.constant 0 : i32
    %dma_start3A_5 = tpu.memref_slice %arg6[%dma_start3A, %dma_start3A_3, %dma_start3A_4] : memref<2x128x128xf32, #tpu.memory_space<vmem>> -> memref<1x128x128xf32, #tpu.memory_space<vmem>>
    %dma_start3A_6 = tpu.memref_squeeze %dma_start3A_5 : memref<1x128x128xf32, #tpu.memory_space<vmem>> -> memref<128x128xf32, #tpu.memory_space<vmem>>
    %dma_start3A_7 = arith.constant 0 : i32
    %dma_start3A_8 = tpu.memref_slice %arg5[%dma_start3A_7] : memref<1152xi32, #tpu.memory_space<vmem>> -> memref<128xi32, #tpu.memory_space<vmem>>
    %dma_start3A_9 = arith.constant 0 : i32
    %dma_start3A_10 = arith.constant 0 : i32
    %dma_start3A_11 = tpu.memref_slice %arg2[%dma_start3A_9, %dma_start3A_10] : memref<8192x128xf32, #tpu.memory_space<hbm>> -> memref<8192x128xf32, #tpu.memory_space<hbm>>
    tpu.enqueue_indirect_dma source(%dma_start3A_11 : memref<8192x128xf32, #tpu.memory_space<hbm>>) target(%dma_start3A_6 : memref<128x128xf32, #tpu.memory_space<vmem>>) offsets(%dma_start3A_8 : memref<128xi32, #tpu.memory_space<vmem>>) semaphore(%arg7 : memref<!tpu.dma_semaphore, #tpu.memory_space<semaphore_mem>>)
    %dma_start3A_12 = arith.constant 1 : i32
    %dma_start3A_13 = arith.constant 0 : i32
    %dma_start3A_14 = arith.constant 0 : i32
    %dma_start3A_15 = tpu.memref_slice %arg6[%dma_start3A_12, %dma_start3A_13, %dma_start3A_14] : memref<2x128x128xf32, #tpu.memory_space<vmem>> -> memref<1x128x128xf32, #tpu.memory_space<vmem>>
    %dma_start3A_16 = tpu.memref_squeeze %dma_start3A_15 : memref<1x128x128xf32, #tpu.memory_space<vmem>> -> memref<128x128xf32, #tpu.memory_space<vmem>>
    %dma_start3A_17 = arith.constant 128 : i32
    %dma_start3A_18 = tpu.memref_slice %arg5[%dma_start3A_17] : memref<1152xi32, #tpu.memory_space<vmem>> -> memref<128xi32, #tpu.memory_space<vmem>>
    %dma_start3A_19 = arith.constant 0 : i32
    %dma_start3A_20 = arith.constant 0 : i32
    %dma_start3A_21 = tpu.memref_slice %arg2[%dma_start3A_19, %dma_start3A_20] : memref<8192x128xf32, #tpu.memory_space<hbm>> -> memref<8192x128xf32, #tpu.memory_space<hbm>>
    tpu.enqueue_indirect_dma source(%dma_start3A_21 : memref<8192x128xf32, #tpu.memory_space<hbm>>) target(%dma_start3A_16 : memref<128x128xf32, #tpu.memory_space<vmem>>) offsets(%dma_start3A_18 : memref<128xi32, #tpu.memory_space<vmem>>) semaphore(%arg7 : memref<!tpu.dma_semaphore, #tpu.memory_space<semaphore_mem>>)
    %dma_wait3A = arith.constant 0 : i32
    %dma_wait3A_22 = arith.constant 0 : i32
    %dma_wait3A_23 = arith.constant 0 : i32
    %dma_wait3A_24 = tpu.memref_slice %arg6[%dma_wait3A, %dma_wait3A_22, %dma_wait3A_23] : memref<2x128x128xf32, #tpu.memory_space<vmem>> -> memref<1x128x128xf32, #tpu.memory_space<vmem>>
    %dma_wait3A_25 = tpu.memref_squeeze %dma_wait3A_24 : memref<1x128x128xf32, #tpu.memory_space<vmem>> -> memref<128x128xf32, #tpu.memory_space<vmem>>
    %dma_wait3A_26 = arith.constant 0 : i32
    %dma_wait3A_27 = tpu.memref_slice %arg5[%dma_wait3A_26] : memref<1152xi32, #tpu.memory_space<vmem>> -> memref<128xi32, #tpu.memory_space<vmem>>
    %dma_wait3A_28 = arith.constant 0 : i32
    %dma_wait3A_29 = arith.constant 0 : i32
    %dma_wait3A_30 = tpu.memref_slice %arg2[%dma_wait3A_28, %dma_wait3A_29] : memref<8192x128xf32, #tpu.memory_space<hbm>> -> memref<8192x128xf32, #tpu.memory_space<hbm>>
    tpu.wait_indirect_dma semaphore(%arg7 : memref<!tpu.dma_semaphore, #tpu.memory_space<semaphore_mem>>) src(%dma_wait3A_30 : memref<8192x128xf32, #tpu.memory_space<hbm>>) dst(%dma_wait3A_25 : memref<128x128xf32, #tpu.memory_space<vmem>>)
    %add3A_31 = arith.constant 0 : i32
    %add3A_32 = arith.addi %mul3A_2, %add3A_31 : i32
    %dma_start3A_33 = arith.constant 0 : i32
    %dma_start3A_34 = arith.constant 0 : i32
    %dma_start3A_35 = arith.constant 0 : i32
    %dma_start3A_36 = tpu.memref_slice %arg6[%dma_start3A_33, %dma_start3A_34, %dma_start3A_35] : memref<2x128x128xf32, #tpu.memory_space<vmem>> -> memref<1x128x128xf32, #tpu.memory_space<vmem>>
    %dma_start3A_37 = tpu.memref_squeeze %dma_start3A_36 : memref<1x128x128xf32, #tpu.memory_space<vmem>> -> memref<128x128xf32, #tpu.memory_space<vmem>>
    %dma_start3A_38 = arith.constant 0 : i32
    %dma_start3A_39 = tpu.memref_slice %arg4[%add3A_32, %dma_start3A_38] : memref<36864x128xf32, #tpu.memory_space<hbm>> -> memref<128x128xf32, #tpu.memory_space<hbm>>
    %dma_start3A_40 = arith.constant 0 : i32
    %dma_start3A_41 = tpu.memref_slice %arg4[%add3A_32, %dma_start3A_40] : memref<36864x128xf32, #tpu.memory_space<hbm>> -> memref<128x128xf32, #tpu.memory_space<hbm>>
    %dma_start3A_42 = arith.constant 0 : i32
    %dma_start3A_43 = arith.constant 0 : i32
    %dma_start3A_44 = tpu.memref_slice %arg6[%dma_start3A_33, %dma_start3A_42, %dma_start3A_43] : memref<2x128x128xf32, #tpu.memory_space<vmem>> -> memref<1x128x128xf32, #tpu.memory_space<vmem>>
    %dma_start3A_45 = tpu.memref_squeeze %dma_start3A_44 : memref<1x128x128xf32, #tpu.memory_space<vmem>> -> memref<128x128xf32, #tpu.memory_space<vmem>>
    tpu.enqueue_dma source(%dma_start3A_45 : memref<128x128xf32, #tpu.memory_space<vmem>>) target(%dma_start3A_41 : memref<128x128xf32, #tpu.memory_space<hbm>>) target_semaphore(%arg8 : memref<!tpu.dma_semaphore, #tpu.memory_space<semaphore_mem>>)
    %dma_wait3A_46 = arith.constant 0 : i32
    %dma_wait3A_47 = arith.constant 0 : i32
    %dma_wait3A_48 = arith.constant 0 : i32
    %dma_wait3A_49 = tpu.memref_slice %arg6[%dma_wait3A_46, %dma_wait3A_47, %dma_wait3A_48] : memref<2x128x128xf32, #tpu.memory_space<vmem>> -> memref<1x128x128xf32, #tpu.memory_space<vmem>>
    %dma_wait3A_50 = tpu.memref_squeeze %dma_wait3A_49 : memref<1x128x128xf32, #tpu.memory_space<vmem>> -> memref<128x128xf32, #tpu.memory_space<vmem>>
    %dma_wait3A_51 = arith.constant 0 : i32
    %dma_wait3A_52 = tpu.memref_slice %arg4[%add3A_32, %dma_wait3A_51] : memref<36864x128xf32, #tpu.memory_space<hbm>> -> memref<128x128xf32, #tpu.memory_space<hbm>>
    %dma_wait3A_53 = arith.constant 0 : i32
    %dma_wait3A_54 = tpu.memref_slice %arg4[%add3A_32, %dma_wait3A_53] : memref<36864x128xf32, #tpu.memory_space<hbm>> -> memref<128x128xf32, #tpu.memory_space<hbm>>
    %dma_wait3A_55 = arith.constant 0 : i32
    %dma_wait3A_56 = arith.constant 0 : i32
    %dma_wait3A_57 = tpu.memref_slice %arg6[%dma_wait3A_46, %dma_wait3A_55, %dma_wait3A_56] : memref<2x128x128xf32, #tpu.memory_space<vmem>> -> memref<1x128x128xf32, #tpu.memory_space<vmem>>
    %dma_wait3A_58 = tpu.memref_squeeze %dma_wait3A_57 : memref<1x128x128xf32, #tpu.memory_space<vmem>> -> memref<128x128xf32, #tpu.memory_space<vmem>>
    tpu.wait_dma2 semaphore(%arg8 : memref<!tpu.dma_semaphore, #tpu.memory_space<semaphore_mem>>) src(%dma_wait3A_58 : memref<128x128xf32, #tpu.memory_space<vmem>>) dst(%dma_wait3A_54 : memref<128x128xf32, #tpu.memory_space<hbm>>)
    %dma_start3A_59 = arith.constant 0 : i32
    %dma_start3A_60 = arith.constant 0 : i32
    %dma_start3A_61 = arith.constant 0 : i32
    %dma_start3A_62 = tpu.memref_slice %arg6[%dma_start3A_59, %dma_start3A_60, %dma_start3A_61] : memref<2x128x128xf32, #tpu.memory_space<vmem>> -> memref<1x128x128xf32, #tpu.memory_space<vmem>>
    %dma_start3A_63 = tpu.memref_squeeze %dma_start3A_62 : memref<1x128x128xf32, #tpu.memory_space<vmem>> -> memref<128x128xf32, #tpu.memory_space<vmem>>
    %dma_start3A_64 = arith.constant 256 : i32
    %dma_start3A_65 = tpu.memref_slice %arg5[%dma_start3A_64] : memref<1152xi32, #tpu.memory_space<vmem>> -> memref<128xi32, #tpu.memory_space<vmem>>
    %dma_start3A_66 = arith.constant 0 : i32
    %dma_start3A_67 = arith.constant 0 : i32
    %dma_start3A_68 = tpu.memref_slice %arg2[%dma_start3A_66, %dma_start3A_67] : memref<8192x128xf32, #tpu.memory_space<hbm>> -> memref<8192x128xf32, #tpu.memory_space<hbm>>
    tpu.enqueue_indirect_dma source(%dma_start3A_68 : memref<8192x128xf32, #tpu.memory_space<hbm>>) target(%dma_start3A_63 : memref<128x128xf32, #tpu.memory_space<vmem>>) offsets(%dma_start3A_65 : memref<128xi32, #tpu.memory_space<vmem>>) semaphore(%arg7 : memref<!tpu.dma_semaphore, #tpu.memory_space<semaphore_mem>>)
    %dma_wait3A_69 = arith.constant 1 : i32
    %dma_wait3A_70 = arith.constant 0 : i32
    %dma_wait3A_71 = arith.constant 0 : i32
    %dma_wait3A_72 = tpu.memref_slice %arg6[%dma_wait3A_69, %dma_wait3A_70, %dma_wait3A_71] : memref<2x128x128xf32, #tpu.memory_space<vmem>> -> memref<1x128x128xf32, #tpu.memory_space<vmem>>
    %dma_wait3A_73 = tpu.memref_squeeze %dma_wait3A_72 : memref<1x128x128xf32, #tpu.memory_space<vmem>> -> memref<128x128xf32, #tpu.memory_space<vmem>>
    %dma_wait3A_74 = arith.constant 128 : i32
    %dma_wait3A_75 = tpu.memref_slice %arg5[%dma_wait3A_74] : memref<1152xi32, #tpu.memory_space<vmem>> -> memref<128xi32, #tpu.memory_space<vmem>>
    %dma_wait3A_76 = arith.constant 0 : i32
    %dma_wait3A_77 = arith.constant 0 : i32
    %dma_wait3A_78 = tpu.memref_slice %arg2[%dma_wait3A_76, %dma_wait3A_77] : memref<8192x128xf32, #tpu.memory_space<hbm>> -> memref<8192x128xf32, #tpu.memory_space<hbm>>
    tpu.wait_indirect_dma semaphore(%arg7 : memref<!tpu.dma_semaphore, #tpu.memory_space<semaphore_mem>>) src(%dma_wait3A_78 : memref<8192x128xf32, #tpu.memory_space<hbm>>) dst(%dma_wait3A_73 : memref<128x128xf32, #tpu.memory_space<vmem>>)
    %add3A_79 = arith.constant 128 : i32
    %add3A_80 = arith.addi %mul3A_2, %add3A_79 : i32
    %dma_start3A_81 = arith.constant 1 : i32
    %dma_start3A_82 = arith.constant 0 : i32
    %dma_start3A_83 = arith.constant 0 : i32
    %dma_start3A_84 = tpu.memref_slice %arg6[%dma_start3A_81, %dma_start3A_82, %dma_start3A_83] : memref<2x128x128xf32, #tpu.memory_space<vmem>> -> memref<1x128x128xf32, #tpu.memory_space<vmem>>
    %dma_start3A_85 = tpu.memref_squeeze %dma_start3A_84 : memref<1x128x128xf32, #tpu.memory_space<vmem>> -> memref<128x128xf32, #tpu.memory_space<vmem>>
    %dma_start3A_86 = arith.constant 0 : i32
    %dma_start3A_87 = tpu.memref_slice %arg4[%add3A_80, %dma_start3A_86] : memref<36864x128xf32, #tpu.memory_space<hbm>> -> memref<128x128xf32, #tpu.memory_space<hbm>>
    %dma_start3A_88 = arith.constant 0 : i32
    %dma_start3A_89 = tpu.memref_slice %arg4[%add3A_80, %dma_start3A_88] : memref<36864x128xf32, #tpu.memory_space<hbm>> -> memref<128x128xf32, #tpu.memory_space<hbm>>
    %dma_start3A_90 = arith.constant 0 : i32
    %dma_start3A_91 = arith.constant 0 : i32
    %dma_start3A_92 = tpu.memref_slice %arg6[%dma_start3A_81, %dma_start3A_90, %dma_start3A_91] : memref<2x128x128xf32, #tpu.memory_space<vmem>> -> memref<1x128x128xf32, #tpu.memory_space<vmem>>
    %dma_start3A_93 = tpu.memref_squeeze %dma_start3A_92 : memref<1x128x128xf32, #tpu.memory_space<vmem>> -> memref<128x128xf32, #tpu.memory_space<vmem>>
    tpu.enqueue_dma source(%dma_start3A_93 : memref<128x128xf32, #tpu.memory_space<vmem>>) target(%dma_start3A_89 : memref<128x128xf32, #tpu.memory_space<hbm>>) target_semaphore(%arg8 : memref<!tpu.dma_semaphore, #tpu.memory_space<semaphore_mem>>)
    %dma_wait3A_94 = arith.constant 1 : i32
    %dma_wait3A_95 = arith.constant 0 : i32
    %dma_wait3A_96 = arith.constant 0 : i32
    %dma_wait3A_97 = tpu.memref_slice %arg6[%dma_wait3A_94, %dma_wait3A_95, %dma_wait3A_96] : memref<2x128x128xf32, #tpu.memory_space<vmem>> -> memref<1x128x128xf32, #tpu.memory_space<vmem>>
    %dma_wait3A_98 = tpu.memref_squeeze %dma_wait3A_97 : memref<1x128x128xf32, #tpu.memory_space<vmem>> -> memref<128x128xf32, #tpu.memory_space<vmem>>
    %dma_wait3A_99 = arith.constant 0 : i32
    %dma_wait3A_100 = tpu.memref_slice %arg4[%add3A_80, %dma_wait3A_99] : memref<36864x128xf32, #tpu.memory_space<hbm>> -> memref<128x128xf32, #tpu.memory_space<hbm>>
    %dma_wait3A_101 = arith.constant 0 : i32
    %dma_wait3A_102 = tpu.memref_slice %arg4[%add3A_80, %dma_wait3A_101] : memref<36864x128xf32, #tpu.memory_space<hbm>> -> memref<128x128xf32, #tpu.memory_space<hbm>>
    %dma_wait3A_103 = arith.constant 0 : i32
    %dma_wait3A_104 = arith.constant 0 : i32
    %dma_wait3A_105 = tpu.memref_slice %arg6[%dma_wait3A_94, %dma_wait3A_103, %dma_wait3A_104] : memref<2x128x128xf32, #tpu.memory_space<vmem>> -> memref<1x128x128xf32, #tpu.memory_space<vmem>>
    %dma_wait3A_106 = tpu.memref_squeeze %dma_wait3A_105 : memref<1x128x128xf32, #tpu.memory_space<vmem>> -> memref<128x128xf32, #tpu.memory_space<vmem>>
    tpu.wait_dma2 semaphore(%arg8 : memref<!tpu.dma_semaphore, #tpu.memory_space<semaphore_mem>>) src(%dma_wait3A_106 : memref<128x128xf32, #tpu.memory_space<vmem>>) dst(%dma_wait3A_102 : memref<128x128xf32, #tpu.memory_space<hbm>>)
    %dma_start3A_107 = arith.constant 1 : i32
    %dma_start3A_108 = arith.constant 0 : i32
    %dma_start3A_109 = arith.constant 0 : i32
    %dma_start3A_110 = tpu.memref_slice %arg6[%dma_start3A_107, %dma_start3A_108, %dma_start3A_109] : memref<2x128x128xf32, #tpu.memory_space<vmem>> -> memref<1x128x128xf32, #tpu.memory_space<vmem>>
    %dma_start3A_111 = tpu.memref_squeeze %dma_start3A_110 : memref<1x128x128xf32, #tpu.memory_space<vmem>> -> memref<128x128xf32, #tpu.memory_space<vmem>>
    %dma_start3A_112 = arith.constant 384 : i32
    %dma_start3A_113 = tpu.memref_slice %arg5[%dma_start3A_112] : memref<1152xi32, #tpu.memory_space<vmem>> -> memref<128xi32, #tpu.memory_space<vmem>>
    %dma_start3A_114 = arith.constant 0 : i32
    %dma_start3A_115 = arith.constant 0 : i32
    %dma_start3A_116 = tpu.memref_slice %arg2[%dma_start3A_114, %dma_start3A_115] : memref<8192x128xf32, #tpu.memory_space<hbm>> -> memref<8192x128xf32, #tpu.memory_space<hbm>>
    tpu.enqueue_indirect_dma source(%dma_start3A_116 : memref<8192x128xf32, #tpu.memory_space<hbm>>) target(%dma_start3A_111 : memref<128x128xf32, #tpu.memory_space<vmem>>) offsets(%dma_start3A_113 : memref<128xi32, #tpu.memory_space<vmem>>) semaphore(%arg7 : memref<!tpu.dma_semaphore, #tpu.memory_space<semaphore_mem>>)
    %dma_wait3A_117 = arith.constant 0 : i32
    %dma_wait3A_118 = arith.constant 0 : i32
    %dma_wait3A_119 = arith.constant 0 : i32
    %dma_wait3A_120 = tpu.memref_slice %arg6[%dma_wait3A_117, %dma_wait3A_118, %dma_wait3A_119] : memref<2x128x128xf32, #tpu.memory_space<vmem>> -> memref<1x128x128xf32, #tpu.memory_space<vmem>>
    %dma_wait3A_121 = tpu.memref_squeeze %dma_wait3A_120 : memref<1x128x128xf32, #tpu.memory_space<vmem>> -> memref<128x128xf32, #tpu.memory_space<vmem>>
    %dma_wait3A_122 = arith.constant 256 : i32
    %dma_wait3A_123 = tpu.memref_slice %arg5[%dma_wait3A_122] : memref<1152xi32, #tpu.memory_space<vmem>> -> memref<128xi32, #tpu.memory_space<vmem>>
    %dma_wait3A_124 = arith.constant 0 : i32
    %dma_wait3A_125 = arith.constant 0 : i32
    %dma_wait3A_126 = tpu.memref_slice %arg2[%dma_wait3A_124, %dma_wait3A_125] : memref<8192x128xf32, #tpu.memory_space<hbm>> -> memref<8192x128xf32, #tpu.memory_space<hbm>>
    tpu.wait_indirect_dma semaphore(%arg7 : memref<!tpu.dma_semaphore, #tpu.memory_space<semaphore_mem>>) src(%dma_wait3A_126 : memref<8192x128xf32, #tpu.memory_space<hbm>>) dst(%dma_wait3A_121 : memref<128x128xf32, #tpu.memory_space<vmem>>)
    %add3A_127 = arith.constant 256 : i32
    %add3A_128 = arith.addi %mul3A_2, %add3A_127 : i32
    %dma_start3A_129 = arith.constant 0 : i32
    %dma_start3A_130 = arith.constant 0 : i32
    %dma_start3A_131 = arith.constant 0 : i32
    %dma_start3A_132 = tpu.memref_slice %arg6[%dma_start3A_129, %dma_start3A_130, %dma_start3A_131] : memref<2x128x128xf32, #tpu.memory_space<vmem>> -> memref<1x128x128xf32, #tpu.memory_space<vmem>>
    %dma_start3A_133 = tpu.memref_squeeze %dma_start3A_132 : memref<1x128x128xf32, #tpu.memory_space<vmem>> -> memref<128x128xf32, #tpu.memory_space<vmem>>
    %dma_start3A_134 = arith.constant 0 : i32
    %dma_start3A_135 = tpu.memref_slice %arg4[%add3A_128, %dma_start3A_134] : memref<36864x128xf32, #tpu.memory_space<hbm>> -> memref<128x128xf32, #tpu.memory_space<hbm>>
    %dma_start3A_136 = arith.constant 0 : i32
    %dma_start3A_137 = tpu.memref_slice %arg4[%add3A_128, %dma_start3A_136] : memref<36864x128xf32, #tpu.memory_space<hbm>> -> memref<128x128xf32, #tpu.memory_space<hbm>>
    %dma_start3A_138 = arith.constant 0 : i32
    %dma_start3A_139 = arith.constant 0 : i32
    %dma_start3A_140 = tpu.memref_slice %arg6[%dma_start3A_129, %dma_start3A_138, %dma_start3A_139] : memref<2x128x128xf32, #tpu.memory_space<vmem>> -> memref<1x128x128xf32, #tpu.memory_space<vmem>>
    %dma_start3A_141 = tpu.memref_squeeze %dma_start3A_140 : memref<1x128x128xf32, #tpu.memory_space<vmem>> -> memref<128x128xf32, #tpu.memory_space<vmem>>
    tpu.enqueue_dma source(%dma_start3A_141 : memref<128x128xf32, #tpu.memory_space<vmem>>) target(%dma_start3A_137 : memref<128x128xf32, #tpu.memory_space<hbm>>) target_semaphore(%arg8 : memref<!tpu.dma_semaphore, #tpu.memory_space<semaphore_mem>>)
    %dma_wait3A_142 = arith.constant 0 : i32
    %dma_wait3A_143 = arith.constant 0 : i32
    %dma_wait3A_144 = arith.constant 0 : i32
    %dma_wait3A_145 = tpu.memref_slice %arg6[%dma_wait3A_142, %dma_wait3A_143, %dma_wait3A_144] : memref<2x128x128xf32, #tpu.memory_space<vmem>> -> memref<1x128x128xf32, #tpu.memory_space<vmem>>
    %dma_wait3A_146 = tpu.memref_squeeze %dma_wait3A_145 : memref<1x128x128xf32, #tpu.memory_space<vmem>> -> memref<128x128xf32, #tpu.memory_space<vmem>>
    %dma_wait3A_147 = arith.constant 0 : i32
    %dma_wait3A_148 = tpu.memref_slice %arg4[%add3A_128, %dma_wait3A_147] : memref<36864x128xf32, #tpu.memory_space<hbm>> -> memref<128x128xf32, #tpu.memory_space<hbm>>
    %dma_wait3A_149 = arith.constant 0 : i32
    %dma_wait3A_150 = tpu.memref_slice %arg4[%add3A_128, %dma_wait3A_149] : memref<36864x128xf32, #tpu.memory_space<hbm>> -> memref<128x128xf32, #tpu.memory_space<hbm>>
    %dma_wait3A_151 = arith.constant 0 : i32
    %dma_wait3A_152 = arith.constant 0 : i32
    %dma_wait3A_153 = tpu.memref_slice %arg6[%dma_wait3A_142, %dma_wait3A_151, %dma_wait3A_152] : memref<2x128x128xf32, #tpu.memory_space<vmem>> -> memref<1x128x128xf32, #tpu.memory_space<vmem>>
    %dma_wait3A_154 = tpu.memref_squeeze %dma_wait3A_153 : memref<1x128x128xf32, #tpu.memory_space<vmem>> -> memref<128x128xf32, #tpu.memory_space<vmem>>
    tpu.wait_dma2 semaphore(%arg8 : memref<!tpu.dma_semaphore, #tpu.memory_space<semaphore_mem>>) src(%dma_wait3A_154 : memref<128x128xf32, #tpu.memory_space<vmem>>) dst(%dma_wait3A_150 : memref<128x128xf32, #tpu.memory_space<hbm>>)
    %dma_start3A_155 = arith.constant 0 : i32
    %dma_start3A_156 = arith.constant 0 : i32
    %dma_start3A_157 = arith.constant 0 : i32
    %dma_start3A_158 = tpu.memref_slice %arg6[%dma_start3A_155, %dma_start3A_156, %dma_start3A_157] : memref<2x128x128xf32, #tpu.memory_space<vmem>> -> memref<1x128x128xf32, #tpu.memory_space<vmem>>
    %dma_start3A_159 = tpu.memref_squeeze %dma_start3A_158 : memref<1x128x128xf32, #tpu.memory_space<vmem>> -> memref<128x128xf32, #tpu.memory_space<vmem>>
    %dma_start3A_160 = arith.constant 512 : i32
    %dma_start3A_161 = tpu.memref_slice %arg5[%dma_start3A_160] : memref<1152xi32, #tpu.memory_space<vmem>> -> memref<128xi32, #tpu.memory_space<vmem>>
    %dma_start3A_162 = arith.constant 0 : i32
    %dma_start3A_163 = arith.constant 0 : i32
    %dma_start3A_164 = tpu.memref_slice %arg2[%dma_start3A_162, %dma_start3A_163] : memref<8192x128xf32, #tpu.memory_space<hbm>> -> memref<8192x128xf32, #tpu.memory_space<hbm>>
    tpu.enqueue_indirect_dma source(%dma_start3A_164 : memref<8192x128xf32, #tpu.memory_space<hbm>>) target(%dma_start3A_159 : memref<128x128xf32, #tpu.memory_space<vmem>>) offsets(%dma_start3A_161 : memref<128xi32, #tpu.memory_space<vmem>>) semaphore(%arg7 : memref<!tpu.dma_semaphore, #tpu.memory_space<semaphore_mem>>)
    %dma_wait3A_165 = arith.constant 1 : i32
    %dma_wait3A_166 = arith.constant 0 : i32
    %dma_wait3A_167 = arith.constant 0 : i32
    %dma_wait3A_168 = tpu.memref_slice %arg6[%dma_wait3A_165, %dma_wait3A_166, %dma_wait3A_167] : memref<2x128x128xf32, #tpu.memory_space<vmem>> -> memref<1x128x128xf32, #tpu.memory_space<vmem>>
    %dma_wait3A_169 = tpu.memref_squeeze %dma_wait3A_168 : memref<1x128x128xf32, #tpu.memory_space<vmem>> -> memref<128x128xf32, #tpu.memory_space<vmem>>
    %dma_wait3A_170 = arith.constant 384 : i32
    %dma_wait3A_171 = tpu.memref_slice %arg5[%dma_wait3A_170] : memref<1152xi32, #tpu.memory_space<vmem>> -> memref<128xi32, #tpu.memory_space<vmem>>
    %dma_wait3A_172 = arith.constant 0 : i32
    %dma_wait3A_173 = arith.constant 0 : i32
    %dma_wait3A_174 = tpu.memref_slice %arg2[%dma_wait3A_172, %dma_wait3A_173] : memref<8192x128xf32, #tpu.memory_space<hbm>> -> memref<8192x128xf32, #tpu.memory_space<hbm>>
    tpu.wait_indirect_dma semaphore(%arg7 : memref<!tpu.dma_semaphore, #tpu.memory_space<semaphore_mem>>) src(%dma_wait3A_174 : memref<8192x128xf32, #tpu.memory_space<hbm>>) dst(%dma_wait3A_169 : memref<128x128xf32, #tpu.memory_space<vmem>>)
    %add3A_175 = arith.constant 384 : i32
    %add3A_176 = arith.addi %mul3A_2, %add3A_175 : i32
    %dma_start3A_177 = arith.constant 1 : i32
    %dma_start3A_178 = arith.constant 0 : i32
    %dma_start3A_179 = arith.constant 0 : i32
    %dma_start3A_180 = tpu.memref_slice %arg6[%dma_start3A_177, %dma_start3A_178, %dma_start3A_179] : memref<2x128x128xf32, #tpu.memory_space<vmem>> -> memref<1x128x128xf32, #tpu.memory_space<vmem>>
    %dma_start3A_181 = tpu.memref_squeeze %dma_start3A_180 : memref<1x128x128xf32, #tpu.memory_space<vmem>> -> memref<128x128xf32, #tpu.memory_space<vmem>>
    %dma_start3A_182 = arith.constant 0 : i32
    %dma_start3A_183 = tpu.memref_slice %arg4[%add3A_176, %dma_start3A_182] : memref<36864x128xf32, #tpu.memory_space<hbm>> -> memref<128x128xf32, #tpu.memory_space<hbm>>
    %dma_start3A_184 = arith.constant 0 : i32
    %dma_start3A_185 = tpu.memref_slice %arg4[%add3A_176, %dma_start3A_184] : memref<36864x128xf32, #tpu.memory_space<hbm>> -> memref<128x128xf32, #tpu.memory_space<hbm>>
    %dma_start3A_186 = arith.constant 0 : i32
    %dma_start3A_187 = arith.constant 0 : i32
    %dma_start3A_188 = tpu.memref_slice %arg6[%dma_start3A_177, %dma_start3A_186, %dma_start3A_187] : memref<2x128x128xf32, #tpu.memory_space<vmem>> -> memref<1x128x128xf32, #tpu.memory_space<vmem>>
    %dma_start3A_189 = tpu.memref_squeeze %dma_start3A_188 : memref<1x128x128xf32, #tpu.memory_space<vmem>> -> memref<128x128xf32, #tpu.memory_space<vmem>>
    tpu.enqueue_dma source(%dma_start3A_189 : memref<128x128xf32, #tpu.memory_space<vmem>>) target(%dma_start3A_185 : memref<128x128xf32, #tpu.memory_space<hbm>>) target_semaphore(%arg8 : memref<!tpu.dma_semaphore, #tpu.memory_space<semaphore_mem>>)
    %dma_wait3A_190 = arith.constant 1 : i32
    %dma_wait3A_191 = arith.constant 0 : i32
    %dma_wait3A_192 = arith.constant 0 : i32
    %dma_wait3A_193 = tpu.memref_slice %arg6[%dma_wait3A_190, %dma_wait3A_191, %dma_wait3A_192] : memref<2x128x128xf32, #tpu.memory_space<vmem>> -> memref<1x128x128xf32, #tpu.memory_space<vmem>>
    %dma_wait3A_194 = tpu.memref_squeeze %dma_wait3A_193 : memref<1x128x128xf32, #tpu.memory_space<vmem>> -> memref<128x128xf32, #tpu.memory_space<vmem>>
    %dma_wait3A_195 = arith.constant 0 : i32
    %dma_wait3A_196 = tpu.memref_slice %arg4[%add3A_176, %dma_wait3A_195] : memref<36864x128xf32, #tpu.memory_space<hbm>> -> memref<128x128xf32, #tpu.memory_space<hbm>>
    %dma_wait3A_197 = arith.constant 0 : i32
    %dma_wait3A_198 = tpu.memref_slice %arg4[%add3A_176, %dma_wait3A_197] : memref<36864x128xf32, #tpu.memory_space<hbm>> -> memref<128x128xf32, #tpu.memory_space<hbm>>
    %dma_wait3A_199 = arith.constant 0 : i32
    %dma_wait3A_200 = arith.constant 0 : i32
    %dma_wait3A_201 = tpu.memref_slice %arg6[%dma_wait3A_190, %dma_wait3A_199, %dma_wait3A_200] : memref<2x128x128xf32, #tpu.memory_space<vmem>> -> memref<1x128x128xf32, #tpu.memory_space<vmem>>
    %dma_wait3A_202 = tpu.memref_squeeze %dma_wait3A_201 : memref<1x128x128xf32, #tpu.memory_space<vmem>> -> memref<128x128xf32, #tpu.memory_space<vmem>>
    tpu.wait_dma2 semaphore(%arg8 : memref<!tpu.dma_semaphore, #tpu.memory_space<semaphore_mem>>) src(%dma_wait3A_202 : memref<128x128xf32, #tpu.memory_space<vmem>>) dst(%dma_wait3A_198 : memref<128x128xf32, #tpu.memory_space<hbm>>)
    %dma_start3A_203 = arith.constant 1 : i32
    %dma_start3A_204 = arith.constant 0 : i32
    %dma_start3A_205 = arith.constant 0 : i32
    %dma_start3A_206 = tpu.memref_slice %arg6[%dma_start3A_203, %dma_start3A_204, %dma_start3A_205] : memref<2x128x128xf32, #tpu.memory_space<vmem>> -> memref<1x128x128xf32, #tpu.memory_space<vmem>>
    %dma_start3A_207 = tpu.memref_squeeze %dma_start3A_206 : memref<1x128x128xf32, #tpu.memory_space<vmem>> -> memref<128x128xf32, #tpu.memory_space<vmem>>
    %dma_start3A_208 = arith.constant 640 : i32
    %dma_start3A_209 = tpu.memref_slice %arg5[%dma_start3A_208] : memref<1152xi32, #tpu.memory_space<vmem>> -> memref<128xi32, #tpu.memory_space<vmem>>
    %dma_start3A_210 = arith.constant 0 : i32
    %dma_start3A_211 = arith.constant 0 : i32
    %dma_start3A_212 = tpu.memref_slice %arg2[%dma_start3A_210, %dma_start3A_211] : memref<8192x128xf32, #tpu.memory_space<hbm>> -> memref<8192x128xf32, #tpu.memory_space<hbm>>
    tpu.enqueue_indirect_dma source(%dma_start3A_212 : memref<8192x128xf32, #tpu.memory_space<hbm>>) target(%dma_start3A_207 : memref<128x128xf32, #tpu.memory_space<vmem>>) offsets(%dma_start3A_209 : memref<128xi32, #tpu.memory_space<vmem>>) semaphore(%arg7 : memref<!tpu.dma_semaphore, #tpu.memory_space<semaphore_mem>>)
    %dma_wait3A_213 = arith.constant 0 : i32
    %dma_wait3A_214 = arith.constant 0 : i32
    %dma_wait3A_215 = arith.constant 0 : i32
    %dma_wait3A_216 = tpu.memref_slice %arg6[%dma_wait3A_213, %dma_wait3A_214, %dma_wait3A_215] : memref<2x128x128xf32, #tpu.memory_space<vmem>> -> memref<1x128x128xf32, #tpu.memory_space<vmem>>
    %dma_wait3A_217 = tpu.memref_squeeze %dma_wait3A_216 : memref<1x128x128xf32, #tpu.memory_space<vmem>> -> memref<128x128xf32, #tpu.memory_space<vmem>>
    %dma_wait3A_218 = arith.constant 512 : i32
    %dma_wait3A_219 = tpu.memref_slice %arg5[%dma_wait3A_218] : memref<1152xi32, #tpu.memory_space<vmem>> -> memref<128xi32, #tpu.memory_space<vmem>>
    %dma_wait3A_220 = arith.constant 0 : i32
    %dma_wait3A_221 = arith.constant 0 : i32
    %dma_wait3A_222 = tpu.memref_slice %arg2[%dma_wait3A_220, %dma_wait3A_221] : memref<8192x128xf32, #tpu.memory_space<hbm>> -> memref<8192x128xf32, #tpu.memory_space<hbm>>
    tpu.wait_indirect_dma semaphore(%arg7 : memref<!tpu.dma_semaphore, #tpu.memory_space<semaphore_mem>>) src(%dma_wait3A_222 : memref<8192x128xf32, #tpu.memory_space<hbm>>) dst(%dma_wait3A_217 : memref<128x128xf32, #tpu.memory_space<vmem>>)
    %add3A_223 = arith.constant 512 : i32
    %add3A_224 = arith.addi %mul3A_2, %add3A_223 : i32
    %dma_start3A_225 = arith.constant 0 : i32
    %dma_start3A_226 = arith.constant 0 : i32
    %dma_start3A_227 = arith.constant 0 : i32
    %dma_start3A_228 = tpu.memref_slice %arg6[%dma_start3A_225, %dma_start3A_226, %dma_start3A_227] : memref<2x128x128xf32, #tpu.memory_space<vmem>> -> memref<1x128x128xf32, #tpu.memory_space<vmem>>
    %dma_start3A_229 = tpu.memref_squeeze %dma_start3A_228 : memref<1x128x128xf32, #tpu.memory_space<vmem>> -> memref<128x128xf32, #tpu.memory_space<vmem>>
    %dma_start3A_230 = arith.constant 0 : i32
    %dma_start3A_231 = tpu.memref_slice %arg4[%add3A_224, %dma_start3A_230] : memref<36864x128xf32, #tpu.memory_space<hbm>> -> memref<128x128xf32, #tpu.memory_space<hbm>>
    %dma_start3A_232 = arith.constant 0 : i32
    %dma_start3A_233 = tpu.memref_slice %arg4[%add3A_224, %dma_start3A_232] : memref<36864x128xf32, #tpu.memory_space<hbm>> -> memref<128x128xf32, #tpu.memory_space<hbm>>
    %dma_start3A_234 = arith.constant 0 : i32
    %dma_start3A_235 = arith.constant 0 : i32
    %dma_start3A_236 = tpu.memref_slice %arg6[%dma_start3A_225, %dma_start3A_234, %dma_start3A_235] : memref<2x128x128xf32, #tpu.memory_space<vmem>> -> memref<1x128x128xf32, #tpu.memory_space<vmem>>
    %dma_start3A_237 = tpu.memref_squeeze %dma_start3A_236 : memref<1x128x128xf32, #tpu.memory_space<vmem>> -> memref<128x128xf32, #tpu.memory_space<vmem>>
    tpu.enqueue_dma source(%dma_start3A_237 : memref<128x128xf32, #tpu.memory_space<vmem>>) target(%dma_start3A_233 : memref<128x128xf32, #tpu.memory_space<hbm>>) target_semaphore(%arg8 : memref<!tpu.dma_semaphore, #tpu.memory_space<semaphore_mem>>)
    %dma_wait3A_238 = arith.constant 0 : i32
    %dma_wait3A_239 = arith.constant 0 : i32
    %dma_wait3A_240 = arith.constant 0 : i32
    %dma_wait3A_241 = tpu.memref_slice %arg6[%dma_wait3A_238, %dma_wait3A_239, %dma_wait3A_240] : memref<2x128x128xf32, #tpu.memory_space<vmem>> -> memref<1x128x128xf32, #tpu.memory_space<vmem>>
    %dma_wait3A_242 = tpu.memref_squeeze %dma_wait3A_241 : memref<1x128x128xf32, #tpu.memory_space<vmem>> -> memref<128x128xf32, #tpu.memory_space<vmem>>
    %dma_wait3A_243 = arith.constant 0 : i32
    %dma_wait3A_244 = tpu.memref_slice %arg4[%add3A_224, %dma_wait3A_243] : memref<36864x128xf32, #tpu.memory_space<hbm>> -> memref<128x128xf32, #tpu.memory_space<hbm>>
    %dma_wait3A_245 = arith.constant 0 : i32
    %dma_wait3A_246 = tpu.memref_slice %arg4[%add3A_224, %dma_wait3A_245] : memref<36864x128xf32, #tpu.memory_space<hbm>> -> memref<128x128xf32, #tpu.memory_space<hbm>>
    %dma_wait3A_247 = arith.constant 0 : i32
    %dma_wait3A_248 = arith.constant 0 : i32
    %dma_wait3A_249 = tpu.memref_slice %arg6[%dma_wait3A_238, %dma_wait3A_247, %dma_wait3A_248] : memref<2x128x128xf32, #tpu.memory_space<vmem>> -> memref<1x128x128xf32, #tpu.memory_space<vmem>>
    %dma_wait3A_250 = tpu.memref_squeeze %dma_wait3A_249 : memref<1x128x128xf32, #tpu.memory_space<vmem>> -> memref<128x128xf32, #tpu.memory_space<vmem>>
    tpu.wait_dma2 semaphore(%arg8 : memref<!tpu.dma_semaphore, #tpu.memory_space<semaphore_mem>>) src(%dma_wait3A_250 : memref<128x128xf32, #tpu.memory_space<vmem>>) dst(%dma_wait3A_246 : memref<128x128xf32, #tpu.memory_space<hbm>>)
    %dma_start3A_251 = arith.constant 0 : i32
    %dma_start3A_252 = arith.constant 0 : i32
    %dma_start3A_253 = arith.constant 0 : i32
    %dma_start3A_254 = tpu.memref_slice %arg6[%dma_start3A_251, %dma_start3A_252, %dma_start3A_253] : memref<2x128x128xf32, #tpu.memory_space<vmem>> -> memref<1x128x128xf32, #tpu.memory_space<vmem>>
    %dma_start3A_255 = tpu.memref_squeeze %dma_start3A_254 : memref<1x128x128xf32, #tpu.memory_space<vmem>> -> memref<128x128xf32, #tpu.memory_space<vmem>>
    %dma_start3A_256 = arith.constant 768 : i32
    %dma_start3A_257 = tpu.memref_slice %arg5[%dma_start3A_256] : memref<1152xi32, #tpu.memory_space<vmem>> -> memref<128xi32, #tpu.memory_space<vmem>>
    %dma_start3A_258 = arith.constant 0 : i32
    %dma_start3A_259 = arith.constant 0 : i32
    %dma_start3A_260 = tpu.memref_slice %arg2[%dma_start3A_258, %dma_start3A_259] : memref<8192x128xf32, #tpu.memory_space<hbm>> -> memref<8192x128xf32, #tpu.memory_space<hbm>>
    tpu.enqueue_indirect_dma source(%dma_start3A_260 : memref<8192x128xf32, #tpu.memory_space<hbm>>) target(%dma_start3A_255 : memref<128x128xf32, #tpu.memory_space<vmem>>) offsets(%dma_start3A_257 : memref<128xi32, #tpu.memory_space<vmem>>) semaphore(%arg7 : memref<!tpu.dma_semaphore, #tpu.memory_space<semaphore_mem>>)
    %dma_wait3A_261 = arith.constant 1 : i32
    %dma_wait3A_262 = arith.constant 0 : i32
    %dma_wait3A_263 = arith.constant 0 : i32
    %dma_wait3A_264 = tpu.memref_slice %arg6[%dma_wait3A_261, %dma_wait3A_262, %dma_wait3A_263] : memref<2x128x128xf32, #tpu.memory_space<vmem>> -> memref<1x128x128xf32, #tpu.memory_space<vmem>>
    %dma_wait3A_265 = tpu.memref_squeeze %dma_wait3A_264 : memref<1x128x128xf32, #tpu.memory_space<vmem>> -> memref<128x128xf32, #tpu.memory_space<vmem>>
    %dma_wait3A_266 = arith.constant 640 : i32
    %dma_wait3A_267 = tpu.memref_slice %arg5[%dma_wait3A_266] : memref<1152xi32, #tpu.memory_space<vmem>> -> memref<128xi32, #tpu.memory_space<vmem>>
    %dma_wait3A_268 = arith.constant 0 : i32
    %dma_wait3A_269 = arith.constant 0 : i32
    %dma_wait3A_270 = tpu.memref_slice %arg2[%dma_wait3A_268, %dma_wait3A_269] : memref<8192x128xf32, #tpu.memory_space<hbm>> -> memref<8192x128xf32, #tpu.memory_space<hbm>>
    tpu.wait_indirect_dma semaphore(%arg7 : memref<!tpu.dma_semaphore, #tpu.memory_space<semaphore_mem>>) src(%dma_wait3A_270 : memref<8192x128xf32, #tpu.memory_space<hbm>>) dst(%dma_wait3A_265 : memref<128x128xf32, #tpu.memory_space<vmem>>)
    %add3A_271 = arith.constant 640 : i32
    %add3A_272 = arith.addi %mul3A_2, %add3A_271 : i32
    %dma_start3A_273 = arith.constant 1 : i32
    %dma_start3A_274 = arith.constant 0 : i32
    %dma_start3A_275 = arith.constant 0 : i32
    %dma_start3A_276 = tpu.memref_slice %arg6[%dma_start3A_273, %dma_start3A_274, %dma_start3A_275] : memref<2x128x128xf32, #tpu.memory_space<vmem>> -> memref<1x128x128xf32, #tpu.memory_space<vmem>>
    %dma_start3A_277 = tpu.memref_squeeze %dma_start3A_276 : memref<1x128x128xf32, #tpu.memory_space<vmem>> -> memref<128x128xf32, #tpu.memory_space<vmem>>
    %dma_start3A_278 = arith.constant 0 : i32
    %dma_start3A_279 = tpu.memref_slice %arg4[%add3A_272, %dma_start3A_278] : memref<36864x128xf32, #tpu.memory_space<hbm>> -> memref<128x128xf32, #tpu.memory_space<hbm>>
    %dma_start3A_280 = arith.constant 0 : i32
    %dma_start3A_281 = tpu.memref_slice %arg4[%add3A_272, %dma_start3A_280] : memref<36864x128xf32, #tpu.memory_space<hbm>> -> memref<128x128xf32, #tpu.memory_space<hbm>>
    %dma_start3A_282 = arith.constant 0 : i32
    %dma_start3A_283 = arith.constant 0 : i32
    %dma_start3A_284 = tpu.memref_slice %arg6[%dma_start3A_273, %dma_start3A_282, %dma_start3A_283] : memref<2x128x128xf32, #tpu.memory_space<vmem>> -> memref<1x128x128xf32, #tpu.memory_space<vmem>>
    %dma_start3A_285 = tpu.memref_squeeze %dma_start3A_284 : memref<1x128x128xf32, #tpu.memory_space<vmem>> -> memref<128x128xf32, #tpu.memory_space<vmem>>
    tpu.enqueue_dma source(%dma_start3A_285 : memref<128x128xf32, #tpu.memory_space<vmem>>) target(%dma_start3A_281 : memref<128x128xf32, #tpu.memory_space<hbm>>) target_semaphore(%arg8 : memref<!tpu.dma_semaphore, #tpu.memory_space<semaphore_mem>>)
    %dma_wait3A_286 = arith.constant 1 : i32
    %dma_wait3A_287 = arith.constant 0 : i32
    %dma_wait3A_288 = arith.constant 0 : i32
    %dma_wait3A_289 = tpu.memref_slice %arg6[%dma_wait3A_286, %dma_wait3A_287, %dma_wait3A_288] : memref<2x128x128xf32, #tpu.memory_space<vmem>> -> memref<1x128x128xf32, #tpu.memory_space<vmem>>
    %dma_wait3A_290 = tpu.memref_squeeze %dma_wait3A_289 : memref<1x128x128xf32, #tpu.memory_space<vmem>> -> memref<128x128xf32, #tpu.memory_space<vmem>>
    %dma_wait3A_291 = arith.constant 0 : i32
    %dma_wait3A_292 = tpu.memref_slice %arg4[%add3A_272, %dma_wait3A_291] : memref<36864x128xf32, #tpu.memory_space<hbm>> -> memref<128x128xf32, #tpu.memory_space<hbm>>
    %dma_wait3A_293 = arith.constant 0 : i32
    %dma_wait3A_294 = tpu.memref_slice %arg4[%add3A_272, %dma_wait3A_293] : memref<36864x128xf32, #tpu.memory_space<hbm>> -> memref<128x128xf32, #tpu.memory_space<hbm>>
    %dma_wait3A_295 = arith.constant 0 : i32
    %dma_wait3A_296 = arith.constant 0 : i32
    %dma_wait3A_297 = tpu.memref_slice %arg6[%dma_wait3A_286, %dma_wait3A_295, %dma_wait3A_296] : memref<2x128x128xf32, #tpu.memory_space<vmem>> -> memref<1x128x128xf32, #tpu.memory_space<vmem>>
    %dma_wait3A_298 = tpu.memref_squeeze %dma_wait3A_297 : memref<1x128x128xf32, #tpu.memory_space<vmem>> -> memref<128x128xf32, #tpu.memory_space<vmem>>
    tpu.wait_dma2 semaphore(%arg8 : memref<!tpu.dma_semaphore, #tpu.memory_space<semaphore_mem>>) src(%dma_wait3A_298 : memref<128x128xf32, #tpu.memory_space<vmem>>) dst(%dma_wait3A_294 : memref<128x128xf32, #tpu.memory_space<hbm>>)
    %dma_start3A_299 = arith.constant 1 : i32
    %dma_start3A_300 = arith.constant 0 : i32
    %dma_start3A_301 = arith.constant 0 : i32
    %dma_start3A_302 = tpu.memref_slice %arg6[%dma_start3A_299, %dma_start3A_300, %dma_start3A_301] : memref<2x128x128xf32, #tpu.memory_space<vmem>> -> memref<1x128x128xf32, #tpu.memory_space<vmem>>
    %dma_start3A_303 = tpu.memref_squeeze %dma_start3A_302 : memref<1x128x128xf32, #tpu.memory_space<vmem>> -> memref<128x128xf32, #tpu.memory_space<vmem>>
    %dma_start3A_304 = arith.constant 896 : i32
    %dma_start3A_305 = tpu.memref_slice %arg5[%dma_start3A_304] : memref<1152xi32, #tpu.memory_space<vmem>> -> memref<128xi32, #tpu.memory_space<vmem>>
    %dma_start3A_306 = arith.constant 0 : i32
    %dma_start3A_307 = arith.constant 0 : i32
    %dma_start3A_308 = tpu.memref_slice %arg2[%dma_start3A_306, %dma_start3A_307] : memref<8192x128xf32, #tpu.memory_space<hbm>> -> memref<8192x128xf32, #tpu.memory_space<hbm>>
    tpu.enqueue_indirect_dma source(%dma_start3A_308 : memref<8192x128xf32, #tpu.memory_space<hbm>>) target(%dma_start3A_303 : memref<128x128xf32, #tpu.memory_space<vmem>>) offsets(%dma_start3A_305 : memref<128xi32, #tpu.memory_space<vmem>>) semaphore(%arg7 : memref<!tpu.dma_semaphore, #tpu.memory_space<semaphore_mem>>)
    %dma_wait3A_309 = arith.constant 0 : i32
    %dma_wait3A_310 = arith.constant 0 : i32
    %dma_wait3A_311 = arith.constant 0 : i32
    %dma_wait3A_312 = tpu.memref_slice %arg6[%dma_wait3A_309, %dma_wait3A_310, %dma_wait3A_311] : memref<2x128x128xf32, #tpu.memory_space<vmem>> -> memref<1x128x128xf32, #tpu.memory_space<vmem>>
    %dma_wait3A_313 = tpu.memref_squeeze %dma_wait3A_312 : memref<1x128x128xf32, #tpu.memory_space<vmem>> -> memref<128x128xf32, #tpu.memory_space<vmem>>
    %dma_wait3A_314 = arith.constant 768 : i32
    %dma_wait3A_315 = tpu.memref_slice %arg5[%dma_wait3A_314] : memref<1152xi32, #tpu.memory_space<vmem>> -> memref<128xi32, #tpu.memory_space<vmem>>
    %dma_wait3A_316 = arith.constant 0 : i32
    %dma_wait3A_317 = arith.constant 0 : i32
    %dma_wait3A_318 = tpu.memref_slice %arg2[%dma_wait3A_316, %dma_wait3A_317] : memref<8192x128xf32, #tpu.memory_space<hbm>> -> memref<8192x128xf32, #tpu.memory_space<hbm>>
    tpu.wait_indirect_dma semaphore(%arg7 : memref<!tpu.dma_semaphore, #tpu.memory_space<semaphore_mem>>) src(%dma_wait3A_318 : memref<8192x128xf32, #tpu.memory_space<hbm>>) dst(%dma_wait3A_313 : memref<128x128xf32, #tpu.memory_space<vmem>>)
    %add3A_319 = arith.constant 768 : i32
    %add3A_320 = arith.addi %mul3A_2, %add3A_319 : i32
    %dma_start3A_321 = arith.constant 0 : i32
    %dma_start3A_322 = arith.constant 0 : i32
    %dma_start3A_323 = arith.constant 0 : i32
    %dma_start3A_324 = tpu.memref_slice %arg6[%dma_start3A_321, %dma_start3A_322, %dma_start3A_323] : memref<2x128x128xf32, #tpu.memory_space<vmem>> -> memref<1x128x128xf32, #tpu.memory_space<vmem>>
    %dma_start3A_325 = tpu.memref_squeeze %dma_start3A_324 : memref<1x128x128xf32, #tpu.memory_space<vmem>> -> memref<128x128xf32, #tpu.memory_space<vmem>>
    %dma_start3A_326 = arith.constant 0 : i32
    %dma_start3A_327 = tpu.memref_slice %arg4[%add3A_320, %dma_start3A_326] : memref<36864x128xf32, #tpu.memory_space<hbm>> -> memref<128x128xf32, #tpu.memory_space<hbm>>
    %dma_start3A_328 = arith.constant 0 : i32
    %dma_start3A_329 = tpu.memref_slice %arg4[%add3A_320, %dma_start3A_328] : memref<36864x128xf32, #tpu.memory_space<hbm>> -> memref<128x128xf32, #tpu.memory_space<hbm>>
    %dma_start3A_330 = arith.constant 0 : i32
    %dma_start3A_331 = arith.constant 0 : i32
    %dma_start3A_332 = tpu.memref_slice %arg6[%dma_start3A_321, %dma_start3A_330, %dma_start3A_331] : memref<2x128x128xf32, #tpu.memory_space<vmem>> -> memref<1x128x128xf32, #tpu.memory_space<vmem>>
    %dma_start3A_333 = tpu.memref_squeeze %dma_start3A_332 : memref<1x128x128xf32, #tpu.memory_space<vmem>> -> memref<128x128xf32, #tpu.memory_space<vmem>>
    tpu.enqueue_dma source(%dma_start3A_333 : memref<128x128xf32, #tpu.memory_space<vmem>>) target(%dma_start3A_329 : memref<128x128xf32, #tpu.memory_space<hbm>>) target_semaphore(%arg8 : memref<!tpu.dma_semaphore, #tpu.memory_space<semaphore_mem>>)
    %dma_wait3A_334 = arith.constant 0 : i32
    %dma_wait3A_335 = arith.constant 0 : i32
    %dma_wait3A_336 = arith.constant 0 : i32
    %dma_wait3A_337 = tpu.memref_slice %arg6[%dma_wait3A_334, %dma_wait3A_335, %dma_wait3A_336] : memref<2x128x128xf32, #tpu.memory_space<vmem>> -> memref<1x128x128xf32, #tpu.memory_space<vmem>>
    %dma_wait3A_338 = tpu.memref_squeeze %dma_wait3A_337 : memref<1x128x128xf32, #tpu.memory_space<vmem>> -> memref<128x128xf32, #tpu.memory_space<vmem>>
    %dma_wait3A_339 = arith.constant 0 : i32
    %dma_wait3A_340 = tpu.memref_slice %arg4[%add3A_320, %dma_wait3A_339] : memref<36864x128xf32, #tpu.memory_space<hbm>> -> memref<128x128xf32, #tpu.memory_space<hbm>>
    %dma_wait3A_341 = arith.constant 0 : i32
    %dma_wait3A_342 = tpu.memref_slice %arg4[%add3A_320, %dma_wait3A_341] : memref<36864x128xf32, #tpu.memory_space<hbm>> -> memref<128x128xf32, #tpu.memory_space<hbm>>
    %dma_wait3A_343 = arith.constant 0 : i32
    %dma_wait3A_344 = arith.constant 0 : i32
    %dma_wait3A_345 = tpu.memref_slice %arg6[%dma_wait3A_334, %dma_wait3A_343, %dma_wait3A_344] : memref<2x128x128xf32, #tpu.memory_space<vmem>> -> memref<1x128x128xf32, #tpu.memory_space<vmem>>
    %dma_wait3A_346 = tpu.memref_squeeze %dma_wait3A_345 : memref<1x128x128xf32, #tpu.memory_space<vmem>> -> memref<128x128xf32, #tpu.memory_space<vmem>>
    tpu.wait_dma2 semaphore(%arg8 : memref<!tpu.dma_semaphore, #tpu.memory_space<semaphore_mem>>) src(%dma_wait3A_346 : memref<128x128xf32, #tpu.memory_space<vmem>>) dst(%dma_wait3A_342 : memref<128x128xf32, #tpu.memory_space<hbm>>)
    %dma_start3A_347 = arith.constant 0 : i32
    %dma_start3A_348 = arith.constant 0 : i32
    %dma_start3A_349 = arith.constant 0 : i32
    %dma_start3A_350 = tpu.memref_slice %arg6[%dma_start3A_347, %dma_start3A_348, %dma_start3A_349] : memref<2x128x128xf32, #tpu.memory_space<vmem>> -> memref<1x128x128xf32, #tpu.memory_space<vmem>>
    %dma_start3A_351 = tpu.memref_squeeze %dma_start3A_350 : memref<1x128x128xf32, #tpu.memory_space<vmem>> -> memref<128x128xf32, #tpu.memory_space<vmem>>
    %dma_start3A_352 = arith.constant 1024 : i32
    %dma_start3A_353 = tpu.memref_slice %arg5[%dma_start3A_352] : memref<1152xi32, #tpu.memory_space<vmem>> -> memref<128xi32, #tpu.memory_space<vmem>>
    %dma_start3A_354 = arith.constant 0 : i32
    %dma_start3A_355 = arith.constant 0 : i32
    %dma_start3A_356 = tpu.memref_slice %arg2[%dma_start3A_354, %dma_start3A_355] : memref<8192x128xf32, #tpu.memory_space<hbm>> -> memref<8192x128xf32, #tpu.memory_space<hbm>>
    tpu.enqueue_indirect_dma source(%dma_start3A_356 : memref<8192x128xf32, #tpu.memory_space<hbm>>) target(%dma_start3A_351 : memref<128x128xf32, #tpu.memory_space<vmem>>) offsets(%dma_start3A_353 : memref<128xi32, #tpu.memory_space<vmem>>) semaphore(%arg7 : memref<!tpu.dma_semaphore, #tpu.memory_space<semaphore_mem>>)
    %dma_wait3A_357 = arith.constant 1 : i32
    %dma_wait3A_358 = arith.constant 0 : i32
    %dma_wait3A_359 = arith.constant 0 : i32
    %dma_wait3A_360 = tpu.memref_slice %arg6[%dma_wait3A_357, %dma_wait3A_358, %dma_wait3A_359] : memref<2x128x128xf32, #tpu.memory_space<vmem>> -> memref<1x128x128xf32, #tpu.memory_space<vmem>>
    %dma_wait3A_361 = tpu.memref_squeeze %dma_wait3A_360 : memref<1x128x128xf32, #tpu.memory_space<vmem>> -> memref<128x128xf32, #tpu.memory_space<vmem>>
    %dma_wait3A_362 = arith.constant 896 : i32
    %dma_wait3A_363 = tpu.memref_slice %arg5[%dma_wait3A_362] : memref<1152xi32, #tpu.memory_space<vmem>> -> memref<128xi32, #tpu.memory_space<vmem>>
    %dma_wait3A_364 = arith.constant 0 : i32
    %dma_wait3A_365 = arith.constant 0 : i32
    %dma_wait3A_366 = tpu.memref_slice %arg2[%dma_wait3A_364, %dma_wait3A_365] : memref<8192x128xf32, #tpu.memory_space<hbm>> -> memref<8192x128xf32, #tpu.memory_space<hbm>>
    tpu.wait_indirect_dma semaphore(%arg7 : memref<!tpu.dma_semaphore, #tpu.memory_space<semaphore_mem>>) src(%dma_wait3A_366 : memref<8192x128xf32, #tpu.memory_space<hbm>>) dst(%dma_wait3A_361 : memref<128x128xf32, #tpu.memory_space<vmem>>)
    %add3A_367 = arith.constant 896 : i32
    %add3A_368 = arith.addi %mul3A_2, %add3A_367 : i32
    %dma_start3A_369 = arith.constant 1 : i32
    %dma_start3A_370 = arith.constant 0 : i32
    %dma_start3A_371 = arith.constant 0 : i32
    %dma_start3A_372 = tpu.memref_slice %arg6[%dma_start3A_369, %dma_start3A_370, %dma_start3A_371] : memref<2x128x128xf32, #tpu.memory_space<vmem>> -> memref<1x128x128xf32, #tpu.memory_space<vmem>>
    %dma_start3A_373 = tpu.memref_squeeze %dma_start3A_372 : memref<1x128x128xf32, #tpu.memory_space<vmem>> -> memref<128x128xf32, #tpu.memory_space<vmem>>
    %dma_start3A_374 = arith.constant 0 : i32
    %dma_start3A_375 = tpu.memref_slice %arg4[%add3A_368, %dma_start3A_374] : memref<36864x128xf32, #tpu.memory_space<hbm>> -> memref<128x128xf32, #tpu.memory_space<hbm>>
    %dma_start3A_376 = arith.constant 0 : i32
    %dma_start3A_377 = tpu.memref_slice %arg4[%add3A_368, %dma_start3A_376] : memref<36864x128xf32, #tpu.memory_space<hbm>> -> memref<128x128xf32, #tpu.memory_space<hbm>>
    %dma_start3A_378 = arith.constant 0 : i32
    %dma_start3A_379 = arith.constant 0 : i32
    %dma_start3A_380 = tpu.memref_slice %arg6[%dma_start3A_369, %dma_start3A_378, %dma_start3A_379] : memref<2x128x128xf32, #tpu.memory_space<vmem>> -> memref<1x128x128xf32, #tpu.memory_space<vmem>>
    %dma_start3A_381 = tpu.memref_squeeze %dma_start3A_380 : memref<1x128x128xf32, #tpu.memory_space<vmem>> -> memref<128x128xf32, #tpu.memory_space<vmem>>
    tpu.enqueue_dma source(%dma_start3A_381 : memref<128x128xf32, #tpu.memory_space<vmem>>) target(%dma_start3A_377 : memref<128x128xf32, #tpu.memory_space<hbm>>) target_semaphore(%arg8 : memref<!tpu.dma_semaphore, #tpu.memory_space<semaphore_mem>>)
    %dma_wait3A_382 = arith.constant 1 : i32
    %dma_wait3A_383 = arith.constant 0 : i32
    %dma_wait3A_384 = arith.constant 0 : i32
    %dma_wait3A_385 = tpu.memref_slice %arg6[%dma_wait3A_382, %dma_wait3A_383, %dma_wait3A_384] : memref<2x128x128xf32, #tpu.memory_space<vmem>> -> memref<1x128x128xf32, #tpu.memory_space<vmem>>
    %dma_wait3A_386 = tpu.memref_squeeze %dma_wait3A_385 : memref<1x128x128xf32, #tpu.memory_space<vmem>> -> memref<128x128xf32, #tpu.memory_space<vmem>>
    %dma_wait3A_387 = arith.constant 0 : i32
    %dma_wait3A_388 = tpu.memref_slice %arg4[%add3A_368, %dma_wait3A_387] : memref<36864x128xf32, #tpu.memory_space<hbm>> -> memref<128x128xf32, #tpu.memory_space<hbm>>
    %dma_wait3A_389 = arith.constant 0 : i32
    %dma_wait3A_390 = tpu.memref_slice %arg4[%add3A_368, %dma_wait3A_389] : memref<36864x128xf32, #tpu.memory_space<hbm>> -> memref<128x128xf32, #tpu.memory_space<hbm>>
    %dma_wait3A_391 = arith.constant 0 : i32
    %dma_wait3A_392 = arith.constant 0 : i32
    %dma_wait3A_393 = tpu.memref_slice %arg6[%dma_wait3A_382, %dma_wait3A_391, %dma_wait3A_392] : memref<2x128x128xf32, #tpu.memory_space<vmem>> -> memref<1x128x128xf32, #tpu.memory_space<vmem>>
    %dma_wait3A_394 = tpu.memref_squeeze %dma_wait3A_393 : memref<1x128x128xf32, #tpu.memory_space<vmem>> -> memref<128x128xf32, #tpu.memory_space<vmem>>
    tpu.wait_dma2 semaphore(%arg8 : memref<!tpu.dma_semaphore, #tpu.memory_space<semaphore_mem>>) src(%dma_wait3A_394 : memref<128x128xf32, #tpu.memory_space<vmem>>) dst(%dma_wait3A_390 : memref<128x128xf32, #tpu.memory_space<hbm>>)
    %dma_wait3A_395 = arith.constant 0 : i32
    %dma_wait3A_396 = arith.constant 0 : i32
    %dma_wait3A_397 = arith.constant 0 : i32
    %dma_wait3A_398 = tpu.memref_slice %arg6[%dma_wait3A_395, %dma_wait3A_396, %dma_wait3A_397] : memref<2x128x128xf32, #tpu.memory_space<vmem>> -> memref<1x128x128xf32, #tpu.memory_space<vmem>>
    %dma_wait3A_399 = tpu.memref_squeeze %dma_wait3A_398 : memref<1x128x128xf32, #tpu.memory_space<vmem>> -> memref<128x128xf32, #tpu.memory_space<vmem>>
    %dma_wait3A_400 = arith.constant 1024 : i32
    %dma_wait3A_401 = tpu.memref_slice %arg5[%dma_wait3A_400] : memref<1152xi32, #tpu.memory_space<vmem>> -> memref<128xi32, #tpu.memory_space<vmem>>
    %dma_wait3A_402 = arith.constant 0 : i32
    %dma_wait3A_403 = arith.constant 0 : i32
    %dma_wait3A_404 = tpu.memref_slice %arg2[%dma_wait3A_402, %dma_wait3A_403] : memref<8192x128xf32, #tpu.memory_space<hbm>> -> memref<8192x128xf32, #tpu.memory_space<hbm>>
    tpu.wait_indirect_dma semaphore(%arg7 : memref<!tpu.dma_semaphore, #tpu.memory_space<semaphore_mem>>) src(%dma_wait3A_404 : memref<8192x128xf32, #tpu.memory_space<hbm>>) dst(%dma_wait3A_399 : memref<128x128xf32, #tpu.memory_space<vmem>>)
    %add3A_405 = arith.constant 1024 : i32
    %add3A_406 = arith.addi %mul3A_2, %add3A_405 : i32
    %dma_start3A_407 = arith.constant 0 : i32
    %dma_start3A_408 = arith.constant 0 : i32
    %dma_start3A_409 = arith.constant 0 : i32
    %dma_start3A_410 = tpu.memref_slice %arg6[%dma_start3A_407, %dma_start3A_408, %dma_start3A_409] : memref<2x128x128xf32, #tpu.memory_space<vmem>> -> memref<1x128x128xf32, #tpu.memory_space<vmem>>
    %dma_start3A_411 = tpu.memref_squeeze %dma_start3A_410 : memref<1x128x128xf32, #tpu.memory_space<vmem>> -> memref<128x128xf32, #tpu.memory_space<vmem>>
    %dma_start3A_412 = arith.constant 0 : i32
    %dma_start3A_413 = tpu.memref_slice %arg4[%add3A_406, %dma_start3A_412] : memref<36864x128xf32, #tpu.memory_space<hbm>> -> memref<128x128xf32, #tpu.memory_space<hbm>>
    %dma_start3A_414 = arith.constant 0 : i32
    %dma_start3A_415 = tpu.memref_slice %arg4[%add3A_406, %dma_start3A_414] : memref<36864x128xf32, #tpu.memory_space<hbm>> -> memref<128x128xf32, #tpu.memory_space<hbm>>
    %dma_start3A_416 = arith.constant 0 : i32
    %dma_start3A_417 = arith.constant 0 : i32
    %dma_start3A_418 = tpu.memref_slice %arg6[%dma_start3A_407, %dma_start3A_416, %dma_start3A_417] : memref<2x128x128xf32, #tpu.memory_space<vmem>> -> memref<1x128x128xf32, #tpu.memory_space<vmem>>
    %dma_start3A_419 = tpu.memref_squeeze %dma_start3A_418 : memref<1x128x128xf32, #tpu.memory_space<vmem>> -> memref<128x128xf32, #tpu.memory_space<vmem>>
    tpu.enqueue_dma source(%dma_start3A_419 : memref<128x128xf32, #tpu.memory_space<vmem>>) target(%dma_start3A_415 : memref<128x128xf32, #tpu.memory_space<hbm>>) target_semaphore(%arg8 : memref<!tpu.dma_semaphore, #tpu.memory_space<semaphore_mem>>)
    %dma_wait3A_420 = arith.constant 0 : i32
    %dma_wait3A_421 = arith.constant 0 : i32
    %dma_wait3A_422 = arith.constant 0 : i32
    %dma_wait3A_423 = tpu.memref_slice %arg6[%dma_wait3A_420, %dma_wait3A_421, %dma_wait3A_422] : memref<2x128x128xf32, #tpu.memory_space<vmem>> -> memref<1x128x128xf32, #tpu.memory_space<vmem>>
    %dma_wait3A_424 = tpu.memref_squeeze %dma_wait3A_423 : memref<1x128x128xf32, #tpu.memory_space<vmem>> -> memref<128x128xf32, #tpu.memory_space<vmem>>
    %dma_wait3A_425 = arith.constant 0 : i32
    %dma_wait3A_426 = tpu.memref_slice %arg4[%add3A_406, %dma_wait3A_425] : memref<36864x128xf32, #tpu.memory_space<hbm>> -> memref<128x128xf32, #tpu.memory_space<hbm>>
    %dma_wait3A_427 = arith.constant 0 : i32
    %dma_wait3A_428 = tpu.memref_slice %arg4[%add3A_406, %dma_wait3A_427] : memref<36864x128xf32, #tpu.memory_space<hbm>> -> memref<128x128xf32, #tpu.memory_space<hbm>>
    %dma_wait3A_429 = arith.constant 0 : i32
    %dma_wait3A_430 = arith.constant 0 : i32
    %dma_wait3A_431 = tpu.memref_slice %arg6[%dma_wait3A_420, %dma_wait3A_429, %dma_wait3A_430] : memref<2x128x128xf32, #tpu.memory_space<vmem>> -> memref<1x128x128xf32, #tpu.memory_space<vmem>>
    %dma_wait3A_432 = tpu.memref_squeeze %dma_wait3A_431 : memref<1x128x128xf32, #tpu.memory_space<vmem>> -> memref<128x128xf32, #tpu.memory_space<vmem>>
    tpu.wait_dma2 semaphore(%arg8 : memref<!tpu.dma_semaphore, #tpu.memory_space<semaphore_mem>>) src(%dma_wait3A_432 : memref<128x128xf32, #tpu.memory_space<vmem>>) dst(%dma_wait3A_428 : memref<128x128xf32, #tpu.memory_space<hbm>>)
    return
  }
}

module attributes {stable_mosaic.version = 14 : i64} {
  func.func @_assign_body(%arg0: i32, %arg1: i32, %arg2: memref<1x576x4x768xf32, #tpu.memory_space<vmem>>, %arg3: memref<32x768xf32, #tpu.memory_space<vmem>>, %arg4: memref<1x32xf32, #tpu.memory_space<vmem>>, %arg5: memref<8192x32xf32, #tpu.memory_space<vmem>>, %arg6: memref<1x1x1x2304xi32, #tpu.memory_space<vmem>>, %arg7: memref<2304x32xf32, #tpu.memory_space<vmem>>) attributes {dimension_semantics = [#tpu.dimension_semantics<arbitrary>, #tpu.dimension_semantics<arbitrary>], iteration_bounds = array<i64: 16, 1>, scalar_prefetch = 0 : i64, scratch_operands = 0 : i64, tpu.core_type = #tpu.core_type<tc>, window_params = [{transform_indices = @transform_0, window_bounds = array<i64: 1, 576, 4, 768>}, {pipeline_mode = #tpu.pipeline_mode<synchronous>, transform_indices = @transform_1, window_bounds = array<i64: 32, 768>}, {pipeline_mode = #tpu.pipeline_mode<synchronous>, transform_indices = @transform_2, window_bounds = array<i64: 1, 32>}, {pipeline_mode = #tpu.pipeline_mode<synchronous>, transform_indices = @transform_3, window_bounds = array<i64: 8192, 32>}, {transform_indices = @transform_4, window_bounds = array<i64: 1, 1, 1, 2304>}, {transform_indices = @transform_5, window_bounds = array<i64: 2304, 32>}]} {
    %get3A = arith.constant 0 : index
    %get3A_0 = arith.constant 0 : index
    %get3A_1 = arith.constant 0 : index
    %get3A_2 = arith.constant 0 : index
    %get3A_3 = vector.load %arg2[%get3A, %get3A_0, %get3A_1, %get3A_2] : memref<1x576x4x768xf32, #tpu.memory_space<vmem>>, vector<1x576x4x768xf32>
    %reshape3A = vector.shape_cast %get3A_3 : vector<1x576x4x768xf32> to vector<2304x768xf32>
    %get3A_4 = arith.constant 0 : index
    %get3A_5 = arith.constant 0 : index
    %get3A_6 = vector.load %arg3[%get3A_4, %get3A_5] : memref<32x768xf32, #tpu.memory_space<vmem>>, vector<32x768xf32>
    %dot_general3A = arith.constant dense<0.000000e+00> : vector<2304x32xf32>
    %dot_general3A_7 = tpu.matmul %reshape3A, %get3A_6, %dot_general3A {dimension_numbers = #tpu.dot_dimension_numbers<[1], [1], [0], [0], [0, 0, 1, 0], [], []>, transpose_lhs_hint = false} : vector<2304x768xf32>, vector<32x768xf32>, vector<2304x32xf32> -> vector<2304x32xf32>
    %get3A_8 = arith.constant 0 : index
    %get3A_9 = arith.constant 0 : index
    %get3A_10 = vector.load %arg4[%get3A_8, %get3A_9] : memref<1x32xf32, #tpu.memory_space<vmem>>, vector<1x32xf32>
    %add3A = vector.broadcast %get3A_10 : vector<1x32xf32> to vector<2304x32xf32>
    %add3A_11 = arith.addf %dot_general3A_7, %add3A : vector<2304x32xf32>
    %mul3A = arith.mulf %add3A_11, %add3A_11 : vector<2304x32xf32>
    %reduce_sum3A = arith.constant dense<0.000000e+00> : vector<2304xf32>
    %reduce_sum3A_12 = vector.multi_reduction <add>, %mul3A, %reduce_sum3A [1] : vector<2304x32xf32> to vector<2304xf32>
    %broadcast_in_dim3A = vector.shape_cast %reduce_sum3A_12 : vector<2304xf32> to vector<2304x1xf32>
    %sqrt3A = math.sqrt %broadcast_in_dim3A : vector<2304x1xf32>
    %max3A = arith.constant 9.99999996E-13 : f32
    %max3A_13 = vector.broadcast %max3A : f32 to vector<2304x1xf32>
    %max3A_14 = arith.maximumf %sqrt3A, %max3A_13 : vector<2304x1xf32>
    %div3A = vector.broadcast %max3A_14 : vector<2304x1xf32> to vector<2304x32xf32>
    %div3A_15 = arith.divf %add3A_11, %div3A : vector<2304x32xf32>
    %swap3A = arith.constant 0 : index
    %swap3A_16 = arith.constant 0 : index
    %swap3A_17 = vector.load %arg7[%swap3A, %swap3A_16] : memref<2304x32xf32, #tpu.memory_space<vmem>>, vector<2304x32xf32>
    tpu.vector_store %arg7[%swap3A, %swap3A_16], %div3A_15 {strides = array<i32>} : memref<2304x32xf32, #tpu.memory_space<vmem>>, vector<2304x32xf32>,
    %broadcast_in_dim3A_18 = arith.constant 0 : i32
    %broadcast_in_dim3A_19 = vector.broadcast %broadcast_in_dim3A_18 : i32 to vector<2304x128xi32>
    %get3A_20 = arith.constant 0 : index
    %get3A_21 = arith.constant 0 : index
    %get3A_22 = vector.load %arg5[%get3A_20, %get3A_21] : memref<8192x32xf32, #tpu.memory_space<vmem>>, vector<2048x32xf32>
    %dot_general3A_23 = arith.constant dense<0.000000e+00> : vector<2304x2048xf32>
    %dot_general3A_24 = tpu.matmul %div3A_15, %get3A_22, %dot_general3A_23 {dimension_numbers = #tpu.dot_dimension_numbers<[1], [1], [0], [0], [0, 0, 1, 0], [], []>, transpose_lhs_hint = false} : vector<2304x32xf32>, vector<2048x32xf32>, vector<2304x2048xf32> -> vector<2304x2048xf32>
    %slice3A = vector.extract_strided_slice %dot_general3A_24 {offsets = [0, 0], sizes = [2304, 128], strides = [1, 1]} : vector<2304x2048xf32> to vector<2304x128xf32>
    %slice3A_25 = vector.extract_strided_slice %dot_general3A_24 {offsets = [0, 128], sizes = [2304, 128], strides = [1, 1]} : vector<2304x2048xf32> to vector<2304x128xf32>
    %gt3A = arith.cmpf ogt, %slice3A_25, %slice3A : vector<2304x128xf32>
    %select_n3A = arith.select %gt3A, %slice3A_25, %slice3A : vector<2304x128xi1>, vector<2304x128xf32>
    %jit3A = arith.constant 1 : i32
    %broadcast_in_dim3A_26 = vector.broadcast %jit3A : i32 to vector<2304x128xi32>
    %select_n3A_27 = arith.select %gt3A, %broadcast_in_dim3A_26, %broadcast_in_dim3A_19 : vector<2304x128xi1>, vector<2304x128xi32>
    %slice3A_28 = vector.extract_strided_slice %dot_general3A_24 {offsets = [0, 256], sizes = [2304, 128], strides = [1, 1]} : vector<2304x2048xf32> to vector<2304x128xf32>
    %gt3A_29 = arith.cmpf ogt, %slice3A_28, %select_n3A : vector<2304x128xf32>
    %select_n3A_30 = arith.select %gt3A_29, %slice3A_28, %select_n3A : vector<2304x128xi1>, vector<2304x128xf32>
    %jit3A_31 = arith.constant 2 : i32
    %broadcast_in_dim3A_32 = vector.broadcast %jit3A_31 : i32 to vector<2304x128xi32>
    %select_n3A_33 = arith.select %gt3A_29, %broadcast_in_dim3A_32, %select_n3A_27 : vector<2304x128xi1>, vector<2304x128xi32>
    %slice3A_34 = vector.extract_strided_slice %dot_general3A_24 {offsets = [0, 384], sizes = [2304, 128], strides = [1, 1]} : vector<2304x2048xf32> to vector<2304x128xf32>
    %gt3A_35 = arith.cmpf ogt, %slice3A_34, %select_n3A_30 : vector<2304x128xf32>
    %select_n3A_36 = arith.select %gt3A_35, %slice3A_34, %select_n3A_30 : vector<2304x128xi1>, vector<2304x128xf32>
    %jit3A_37 = arith.constant 3 : i32
    %broadcast_in_dim3A_38 = vector.broadcast %jit3A_37 : i32 to vector<2304x128xi32>
    %select_n3A_39 = arith.select %gt3A_35, %broadcast_in_dim3A_38, %select_n3A_33 : vector<2304x128xi1>, vector<2304x128xi32>
    %slice3A_40 = vector.extract_strided_slice %dot_general3A_24 {offsets = [0, 512], sizes = [2304, 128], strides = [1, 1]} : vector<2304x2048xf32> to vector<2304x128xf32>
    %gt3A_41 = arith.cmpf ogt, %slice3A_40, %select_n3A_36 : vector<2304x128xf32>
    %select_n3A_42 = arith.select %gt3A_41, %slice3A_40, %select_n3A_36 : vector<2304x128xi1>, vector<2304x128xf32>
    %jit3A_43 = arith.constant 4 : i32
    %broadcast_in_dim3A_44 = vector.broadcast %jit3A_43 : i32 to vector<2304x128xi32>
    %select_n3A_45 = arith.select %gt3A_41, %broadcast_in_dim3A_44, %select_n3A_39 : vector<2304x128xi1>, vector<2304x128xi32>
    %slice3A_46 = vector.extract_strided_slice %dot_general3A_24 {offsets = [0, 640], sizes = [2304, 128], strides = [1, 1]} : vector<2304x2048xf32> to vector<2304x128xf32>
    %gt3A_47 = arith.cmpf ogt, %slice3A_46, %select_n3A_42 : vector<2304x128xf32>
    %select_n3A_48 = arith.select %gt3A_47, %slice3A_46, %select_n3A_42 : vector<2304x128xi1>, vector<2304x128xf32>
    %jit3A_49 = arith.constant 5 : i32
    %broadcast_in_dim3A_50 = vector.broadcast %jit3A_49 : i32 to vector<2304x128xi32>
    %select_n3A_51 = arith.select %gt3A_47, %broadcast_in_dim3A_50, %select_n3A_45 : vector<2304x128xi1>, vector<2304x128xi32>
    %slice3A_52 = vector.extract_strided_slice %dot_general3A_24 {offsets = [0, 768], sizes = [2304, 128], strides = [1, 1]} : vector<2304x2048xf32> to vector<2304x128xf32>
    %gt3A_53 = arith.cmpf ogt, %slice3A_52, %select_n3A_48 : vector<2304x128xf32>
    %select_n3A_54 = arith.select %gt3A_53, %slice3A_52, %select_n3A_48 : vector<2304x128xi1>, vector<2304x128xf32>
    %jit3A_55 = arith.constant 6 : i32
    %broadcast_in_dim3A_56 = vector.broadcast %jit3A_55 : i32 to vector<2304x128xi32>
    %select_n3A_57 = arith.select %gt3A_53, %broadcast_in_dim3A_56, %select_n3A_51 : vector<2304x128xi1>, vector<2304x128xi32>
    %slice3A_58 = vector.extract_strided_slice %dot_general3A_24 {offsets = [0, 896], sizes = [2304, 128], strides = [1, 1]} : vector<2304x2048xf32> to vector<2304x128xf32>
    %gt3A_59 = arith.cmpf ogt, %slice3A_58, %select_n3A_54 : vector<2304x128xf32>
    %select_n3A_60 = arith.select %gt3A_59, %slice3A_58, %select_n3A_54 : vector<2304x128xi1>, vector<2304x128xf32>
    %jit3A_61 = arith.constant 7 : i32
    %broadcast_in_dim3A_62 = vector.broadcast %jit3A_61 : i32 to vector<2304x128xi32>
    %select_n3A_63 = arith.select %gt3A_59, %broadcast_in_dim3A_62, %select_n3A_57 : vector<2304x128xi1>, vector<2304x128xi32>
    %slice3A_64 = vector.extract_strided_slice %dot_general3A_24 {offsets = [0, 1024], sizes = [2304, 128], strides = [1, 1]} : vector<2304x2048xf32> to vector<2304x128xf32>
    %gt3A_65 = arith.cmpf ogt, %slice3A_64, %select_n3A_60 : vector<2304x128xf32>
    %select_n3A_66 = arith.select %gt3A_65, %slice3A_64, %select_n3A_60 : vector<2304x128xi1>, vector<2304x128xf32>
    %jit3A_67 = arith.constant 8 : i32
    %broadcast_in_dim3A_68 = vector.broadcast %jit3A_67 : i32 to vector<2304x128xi32>
    %select_n3A_69 = arith.select %gt3A_65, %broadcast_in_dim3A_68, %select_n3A_63 : vector<2304x128xi1>, vector<2304x128xi32>
    %slice3A_70 = vector.extract_strided_slice %dot_general3A_24 {offsets = [0, 1152], sizes = [2304, 128], strides = [1, 1]} : vector<2304x2048xf32> to vector<2304x128xf32>
    %gt3A_71 = arith.cmpf ogt, %slice3A_70, %select_n3A_66 : vector<2304x128xf32>
    %select_n3A_72 = arith.select %gt3A_71, %slice3A_70, %select_n3A_66 : vector<2304x128xi1>, vector<2304x128xf32>
    %jit3A_73 = arith.constant 9 : i32
    %broadcast_in_dim3A_74 = vector.broadcast %jit3A_73 : i32 to vector<2304x128xi32>
    %select_n3A_75 = arith.select %gt3A_71, %broadcast_in_dim3A_74, %select_n3A_69 : vector<2304x128xi1>, vector<2304x128xi32>
    %slice3A_76 = vector.extract_strided_slice %dot_general3A_24 {offsets = [0, 1280], sizes = [2304, 128], strides = [1, 1]} : vector<2304x2048xf32> to vector<2304x128xf32>
    %gt3A_77 = arith.cmpf ogt, %slice3A_76, %select_n3A_72 : vector<2304x128xf32>
    %select_n3A_78 = arith.select %gt3A_77, %slice3A_76, %select_n3A_72 : vector<2304x128xi1>, vector<2304x128xf32>
    %jit3A_79 = arith.constant 10 : i32
    %broadcast_in_dim3A_80 = vector.broadcast %jit3A_79 : i32 to vector<2304x128xi32>
    %select_n3A_81 = arith.select %gt3A_77, %broadcast_in_dim3A_80, %select_n3A_75 : vector<2304x128xi1>, vector<2304x128xi32>
    %slice3A_82 = vector.extract_strided_slice %dot_general3A_24 {offsets = [0, 1408], sizes = [2304, 128], strides = [1, 1]} : vector<2304x2048xf32> to vector<2304x128xf32>
    %gt3A_83 = arith.cmpf ogt, %slice3A_82, %select_n3A_78 : vector<2304x128xf32>
    %select_n3A_84 = arith.select %gt3A_83, %slice3A_82, %select_n3A_78 : vector<2304x128xi1>, vector<2304x128xf32>
    %jit3A_85 = arith.constant 11 : i32
    %broadcast_in_dim3A_86 = vector.broadcast %jit3A_85 : i32 to vector<2304x128xi32>
    %select_n3A_87 = arith.select %gt3A_83, %broadcast_in_dim3A_86, %select_n3A_81 : vector<2304x128xi1>, vector<2304x128xi32>
    %slice3A_88 = vector.extract_strided_slice %dot_general3A_24 {offsets = [0, 1536], sizes = [2304, 128], strides = [1, 1]} : vector<2304x2048xf32> to vector<2304x128xf32>
    %gt3A_89 = arith.cmpf ogt, %slice3A_88, %select_n3A_84 : vector<2304x128xf32>
    %select_n3A_90 = arith.select %gt3A_89, %slice3A_88, %select_n3A_84 : vector<2304x128xi1>, vector<2304x128xf32>
    %jit3A_91 = arith.constant 12 : i32
    %broadcast_in_dim3A_92 = vector.broadcast %jit3A_91 : i32 to vector<2304x128xi32>
    %select_n3A_93 = arith.select %gt3A_89, %broadcast_in_dim3A_92, %select_n3A_87 : vector<2304x128xi1>, vector<2304x128xi32>
    %slice3A_94 = vector.extract_strided_slice %dot_general3A_24 {offsets = [0, 1664], sizes = [2304, 128], strides = [1, 1]} : vector<2304x2048xf32> to vector<2304x128xf32>
    %gt3A_95 = arith.cmpf ogt, %slice3A_94, %select_n3A_90 : vector<2304x128xf32>
    %select_n3A_96 = arith.select %gt3A_95, %slice3A_94, %select_n3A_90 : vector<2304x128xi1>, vector<2304x128xf32>
    %jit3A_97 = arith.constant 13 : i32
    %broadcast_in_dim3A_98 = vector.broadcast %jit3A_97 : i32 to vector<2304x128xi32>
    %select_n3A_99 = arith.select %gt3A_95, %broadcast_in_dim3A_98, %select_n3A_93 : vector<2304x128xi1>, vector<2304x128xi32>
    %slice3A_100 = vector.extract_strided_slice %dot_general3A_24 {offsets = [0, 1792], sizes = [2304, 128], strides = [1, 1]} : vector<2304x2048xf32> to vector<2304x128xf32>
    %gt3A_101 = arith.cmpf ogt, %slice3A_100, %select_n3A_96 : vector<2304x128xf32>
    %select_n3A_102 = arith.select %gt3A_101, %slice3A_100, %select_n3A_96 : vector<2304x128xi1>, vector<2304x128xf32>
    %jit3A_103 = arith.constant 14 : i32
    %broadcast_in_dim3A_104 = vector.broadcast %jit3A_103 : i32 to vector<2304x128xi32>
    %select_n3A_105 = arith.select %gt3A_101, %broadcast_in_dim3A_104, %select_n3A_99 : vector<2304x128xi1>, vector<2304x128xi32>
    %slice3A_106 = vector.extract_strided_slice %dot_general3A_24 {offsets = [0, 1920], sizes = [2304, 128], strides = [1, 1]} : vector<2304x2048xf32> to vector<2304x128xf32>
    %gt3A_107 = arith.cmpf ogt, %slice3A_106, %select_n3A_102 : vector<2304x128xf32>
    %select_n3A_108 = arith.select %gt3A_107, %slice3A_106, %select_n3A_102 : vector<2304x128xi1>, vector<2304x128xf32>
    %jit3A_109 = arith.constant 15 : i32
    %broadcast_in_dim3A_110 = vector.broadcast %jit3A_109 : i32 to vector<2304x128xi32>
    %select_n3A_111 = arith.select %gt3A_107, %broadcast_in_dim3A_110, %select_n3A_105 : vector<2304x128xi1>, vector<2304x128xi32>
    %get3A_112 = arith.constant 2048 : index
    %get3A_113 = arith.constant 0 : index
    %get3A_114 = vector.load %arg5[%get3A_112, %get3A_113] : memref<8192x32xf32, #tpu.memory_space<vmem>>, vector<2048x32xf32>
    %dot_general3A_115 = arith.constant dense<0.000000e+00> : vector<2304x2048xf32>
    %dot_general3A_116 = tpu.matmul %div3A_15, %get3A_114, %dot_general3A_115 {dimension_numbers = #tpu.dot_dimension_numbers<[1], [1], [0], [0], [0, 0, 1, 0], [], []>, transpose_lhs_hint = false} : vector<2304x32xf32>, vector<2048x32xf32>, vector<2304x2048xf32> -> vector<2304x2048xf32>
    %slice3A_117 = vector.extract_strided_slice %dot_general3A_116 {offsets = [0, 0], sizes = [2304, 128], strides = [1, 1]} : vector<2304x2048xf32> to vector<2304x128xf32>
    %gt3A_118 = arith.cmpf ogt, %slice3A_117, %select_n3A_108 : vector<2304x128xf32>
    %select_n3A_119 = arith.select %gt3A_118, %slice3A_117, %select_n3A_108 : vector<2304x128xi1>, vector<2304x128xf32>
    %jit3A_120 = arith.constant 16 : i32
    %broadcast_in_dim3A_121 = vector.broadcast %jit3A_120 : i32 to vector<2304x128xi32>
    %select_n3A_122 = arith.select %gt3A_118, %broadcast_in_dim3A_121, %select_n3A_111 : vector<2304x128xi1>, vector<2304x128xi32>
    %slice3A_123 = vector.extract_strided_slice %dot_general3A_116 {offsets = [0, 128], sizes = [2304, 128], strides = [1, 1]} : vector<2304x2048xf32> to vector<2304x128xf32>
    %gt3A_124 = arith.cmpf ogt, %slice3A_123, %select_n3A_119 : vector<2304x128xf32>
    %select_n3A_125 = arith.select %gt3A_124, %slice3A_123, %select_n3A_119 : vector<2304x128xi1>, vector<2304x128xf32>
    %jit3A_126 = arith.constant 17 : i32
    %broadcast_in_dim3A_127 = vector.broadcast %jit3A_126 : i32 to vector<2304x128xi32>
    %select_n3A_128 = arith.select %gt3A_124, %broadcast_in_dim3A_127, %select_n3A_122 : vector<2304x128xi1>, vector<2304x128xi32>
    %slice3A_129 = vector.extract_strided_slice %dot_general3A_116 {offsets = [0, 256], sizes = [2304, 128], strides = [1, 1]} : vector<2304x2048xf32> to vector<2304x128xf32>
    %gt3A_130 = arith.cmpf ogt, %slice3A_129, %select_n3A_125 : vector<2304x128xf32>
    %select_n3A_131 = arith.select %gt3A_130, %slice3A_129, %select_n3A_125 : vector<2304x128xi1>, vector<2304x128xf32>
    %jit3A_132 = arith.constant 18 : i32
    %broadcast_in_dim3A_133 = vector.broadcast %jit3A_132 : i32 to vector<2304x128xi32>
    %select_n3A_134 = arith.select %gt3A_130, %broadcast_in_dim3A_133, %select_n3A_128 : vector<2304x128xi1>, vector<2304x128xi32>
    %slice3A_135 = vector.extract_strided_slice %dot_general3A_116 {offsets = [0, 384], sizes = [2304, 128], strides = [1, 1]} : vector<2304x2048xf32> to vector<2304x128xf32>
    %gt3A_136 = arith.cmpf ogt, %slice3A_135, %select_n3A_131 : vector<2304x128xf32>
    %select_n3A_137 = arith.select %gt3A_136, %slice3A_135, %select_n3A_131 : vector<2304x128xi1>, vector<2304x128xf32>
    %jit3A_138 = arith.constant 19 : i32
    %broadcast_in_dim3A_139 = vector.broadcast %jit3A_138 : i32 to vector<2304x128xi32>
    %select_n3A_140 = arith.select %gt3A_136, %broadcast_in_dim3A_139, %select_n3A_134 : vector<2304x128xi1>, vector<2304x128xi32>
    %slice3A_141 = vector.extract_strided_slice %dot_general3A_116 {offsets = [0, 512], sizes = [2304, 128], strides = [1, 1]} : vector<2304x2048xf32> to vector<2304x128xf32>
    %gt3A_142 = arith.cmpf ogt, %slice3A_141, %select_n3A_137 : vector<2304x128xf32>
    %select_n3A_143 = arith.select %gt3A_142, %slice3A_141, %select_n3A_137 : vector<2304x128xi1>, vector<2304x128xf32>
    %jit3A_144 = arith.constant 20 : i32
    %broadcast_in_dim3A_145 = vector.broadcast %jit3A_144 : i32 to vector<2304x128xi32>
    %select_n3A_146 = arith.select %gt3A_142, %broadcast_in_dim3A_145, %select_n3A_140 : vector<2304x128xi1>, vector<2304x128xi32>
    %slice3A_147 = vector.extract_strided_slice %dot_general3A_116 {offsets = [0, 640], sizes = [2304, 128], strides = [1, 1]} : vector<2304x2048xf32> to vector<2304x128xf32>
    %gt3A_148 = arith.cmpf ogt, %slice3A_147, %select_n3A_143 : vector<2304x128xf32>
    %select_n3A_149 = arith.select %gt3A_148, %slice3A_147, %select_n3A_143 : vector<2304x128xi1>, vector<2304x128xf32>
    %jit3A_150 = arith.constant 21 : i32
    %broadcast_in_dim3A_151 = vector.broadcast %jit3A_150 : i32 to vector<2304x128xi32>
    %select_n3A_152 = arith.select %gt3A_148, %broadcast_in_dim3A_151, %select_n3A_146 : vector<2304x128xi1>, vector<2304x128xi32>
    %slice3A_153 = vector.extract_strided_slice %dot_general3A_116 {offsets = [0, 768], sizes = [2304, 128], strides = [1, 1]} : vector<2304x2048xf32> to vector<2304x128xf32>
    %gt3A_154 = arith.cmpf ogt, %slice3A_153, %select_n3A_149 : vector<2304x128xf32>
    %select_n3A_155 = arith.select %gt3A_154, %slice3A_153, %select_n3A_149 : vector<2304x128xi1>, vector<2304x128xf32>
    %jit3A_156 = arith.constant 22 : i32
    %broadcast_in_dim3A_157 = vector.broadcast %jit3A_156 : i32 to vector<2304x128xi32>
    %select_n3A_158 = arith.select %gt3A_154, %broadcast_in_dim3A_157, %select_n3A_152 : vector<2304x128xi1>, vector<2304x128xi32>
    %slice3A_159 = vector.extract_strided_slice %dot_general3A_116 {offsets = [0, 896], sizes = [2304, 128], strides = [1, 1]} : vector<2304x2048xf32> to vector<2304x128xf32>
    %gt3A_160 = arith.cmpf ogt, %slice3A_159, %select_n3A_155 : vector<2304x128xf32>
    %select_n3A_161 = arith.select %gt3A_160, %slice3A_159, %select_n3A_155 : vector<2304x128xi1>, vector<2304x128xf32>
    %jit3A_162 = arith.constant 23 : i32
    %broadcast_in_dim3A_163 = vector.broadcast %jit3A_162 : i32 to vector<2304x128xi32>
    %select_n3A_164 = arith.select %gt3A_160, %broadcast_in_dim3A_163, %select_n3A_158 : vector<2304x128xi1>, vector<2304x128xi32>
    %slice3A_165 = vector.extract_strided_slice %dot_general3A_116 {offsets = [0, 1024], sizes = [2304, 128], strides = [1, 1]} : vector<2304x2048xf32> to vector<2304x128xf32>
    %gt3A_166 = arith.cmpf ogt, %slice3A_165, %select_n3A_161 : vector<2304x128xf32>
    %select_n3A_167 = arith.select %gt3A_166, %slice3A_165, %select_n3A_161 : vector<2304x128xi1>, vector<2304x128xf32>
    %jit3A_168 = arith.constant 24 : i32
    %broadcast_in_dim3A_169 = vector.broadcast %jit3A_168 : i32 to vector<2304x128xi32>
    %select_n3A_170 = arith.select %gt3A_166, %broadcast_in_dim3A_169, %select_n3A_164 : vector<2304x128xi1>, vector<2304x128xi32>
    %slice3A_171 = vector.extract_strided_slice %dot_general3A_116 {offsets = [0, 1152], sizes = [2304, 128], strides = [1, 1]} : vector<2304x2048xf32> to vector<2304x128xf32>
    %gt3A_172 = arith.cmpf ogt, %slice3A_171, %select_n3A_167 : vector<2304x128xf32>
    %select_n3A_173 = arith.select %gt3A_172, %slice3A_171, %select_n3A_167 : vector<2304x128xi1>, vector<2304x128xf32>
    %jit3A_174 = arith.constant 25 : i32
    %broadcast_in_dim3A_175 = vector.broadcast %jit3A_174 : i32 to vector<2304x128xi32>
    %select_n3A_176 = arith.select %gt3A_172, %broadcast_in_dim3A_175, %select_n3A_170 : vector<2304x128xi1>, vector<2304x128xi32>
    %slice3A_177 = vector.extract_strided_slice %dot_general3A_116 {offsets = [0, 1280], sizes = [2304, 128], strides = [1, 1]} : vector<2304x2048xf32> to vector<2304x128xf32>
    %gt3A_178 = arith.cmpf ogt, %slice3A_177, %select_n3A_173 : vector<2304x128xf32>
    %select_n3A_179 = arith.select %gt3A_178, %slice3A_177, %select_n3A_173 : vector<2304x128xi1>, vector<2304x128xf32>
    %jit3A_180 = arith.constant 26 : i32
    %broadcast_in_dim3A_181 = vector.broadcast %jit3A_180 : i32 to vector<2304x128xi32>
    %select_n3A_182 = arith.select %gt3A_178, %broadcast_in_dim3A_181, %select_n3A_176 : vector<2304x128xi1>, vector<2304x128xi32>
    %slice3A_183 = vector.extract_strided_slice %dot_general3A_116 {offsets = [0, 1408], sizes = [2304, 128], strides = [1, 1]} : vector<2304x2048xf32> to vector<2304x128xf32>
    %gt3A_184 = arith.cmpf ogt, %slice3A_183, %select_n3A_179 : vector<2304x128xf32>
    %select_n3A_185 = arith.select %gt3A_184, %slice3A_183, %select_n3A_179 : vector<2304x128xi1>, vector<2304x128xf32>
    %jit3A_186 = arith.constant 27 : i32
    %broadcast_in_dim3A_187 = vector.broadcast %jit3A_186 : i32 to vector<2304x128xi32>
    %select_n3A_188 = arith.select %gt3A_184, %broadcast_in_dim3A_187, %select_n3A_182 : vector<2304x128xi1>, vector<2304x128xi32>
    %slice3A_189 = vector.extract_strided_slice %dot_general3A_116 {offsets = [0, 1536], sizes = [2304, 128], strides = [1, 1]} : vector<2304x2048xf32> to vector<2304x128xf32>
    %gt3A_190 = arith.cmpf ogt, %slice3A_189, %select_n3A_185 : vector<2304x128xf32>
    %select_n3A_191 = arith.select %gt3A_190, %slice3A_189, %select_n3A_185 : vector<2304x128xi1>, vector<2304x128xf32>
    %jit3A_192 = arith.constant 28 : i32
    %broadcast_in_dim3A_193 = vector.broadcast %jit3A_192 : i32 to vector<2304x128xi32>
    %select_n3A_194 = arith.select %gt3A_190, %broadcast_in_dim3A_193, %select_n3A_188 : vector<2304x128xi1>, vector<2304x128xi32>
    %slice3A_195 = vector.extract_strided_slice %dot_general3A_116 {offsets = [0, 1664], sizes = [2304, 128], strides = [1, 1]} : vector<2304x2048xf32> to vector<2304x128xf32>
    %gt3A_196 = arith.cmpf ogt, %slice3A_195, %select_n3A_191 : vector<2304x128xf32>
    %select_n3A_197 = arith.select %gt3A_196, %slice3A_195, %select_n3A_191 : vector<2304x128xi1>, vector<2304x128xf32>
    %jit3A_198 = arith.constant 29 : i32
    %broadcast_in_dim3A_199 = vector.broadcast %jit3A_198 : i32 to vector<2304x128xi32>
    %select_n3A_200 = arith.select %gt3A_196, %broadcast_in_dim3A_199, %select_n3A_194 : vector<2304x128xi1>, vector<2304x128xi32>
    %slice3A_201 = vector.extract_strided_slice %dot_general3A_116 {offsets = [0, 1792], sizes = [2304, 128], strides = [1, 1]} : vector<2304x2048xf32> to vector<2304x128xf32>
    %gt3A_202 = arith.cmpf ogt, %slice3A_201, %select_n3A_197 : vector<2304x128xf32>
    %select_n3A_203 = arith.select %gt3A_202, %slice3A_201, %select_n3A_197 : vector<2304x128xi1>, vector<2304x128xf32>
    %jit3A_204 = arith.constant 30 : i32
    %broadcast_in_dim3A_205 = vector.broadcast %jit3A_204 : i32 to vector<2304x128xi32>
    %select_n3A_206 = arith.select %gt3A_202, %broadcast_in_dim3A_205, %select_n3A_200 : vector<2304x128xi1>, vector<2304x128xi32>
    %slice3A_207 = vector.extract_strided_slice %dot_general3A_116 {offsets = [0, 1920], sizes = [2304, 128], strides = [1, 1]} : vector<2304x2048xf32> to vector<2304x128xf32>
    %gt3A_208 = arith.cmpf ogt, %slice3A_207, %select_n3A_203 : vector<2304x128xf32>
    %select_n3A_209 = arith.select %gt3A_208, %slice3A_207, %select_n3A_203 : vector<2304x128xi1>, vector<2304x128xf32>
    %jit3A_210 = arith.constant 31 : i32
    %broadcast_in_dim3A_211 = vector.broadcast %jit3A_210 : i32 to vector<2304x128xi32>
    %select_n3A_212 = arith.select %gt3A_208, %broadcast_in_dim3A_211, %select_n3A_206 : vector<2304x128xi1>, vector<2304x128xi32>
    %get3A_213 = arith.constant 4096 : index
    %get3A_214 = arith.constant 0 : index
    %get3A_215 = vector.load %arg5[%get3A_213, %get3A_214] : memref<8192x32xf32, #tpu.memory_space<vmem>>, vector<2048x32xf32>
    %dot_general3A_216 = arith.constant dense<0.000000e+00> : vector<2304x2048xf32>
    %dot_general3A_217 = tpu.matmul %div3A_15, %get3A_215, %dot_general3A_216 {dimension_numbers = #tpu.dot_dimension_numbers<[1], [1], [0], [0], [0, 0, 1, 0], [], []>, transpose_lhs_hint = false} : vector<2304x32xf32>, vector<2048x32xf32>, vector<2304x2048xf32> -> vector<2304x2048xf32>
    %slice3A_218 = vector.extract_strided_slice %dot_general3A_217 {offsets = [0, 0], sizes = [2304, 128], strides = [1, 1]} : vector<2304x2048xf32> to vector<2304x128xf32>
    %gt3A_219 = arith.cmpf ogt, %slice3A_218, %select_n3A_209 : vector<2304x128xf32>
    %select_n3A_220 = arith.select %gt3A_219, %slice3A_218, %select_n3A_209 : vector<2304x128xi1>, vector<2304x128xf32>
    %jit3A_221 = arith.constant 32 : i32
    %broadcast_in_dim3A_222 = vector.broadcast %jit3A_221 : i32 to vector<2304x128xi32>
    %select_n3A_223 = arith.select %gt3A_219, %broadcast_in_dim3A_222, %select_n3A_212 : vector<2304x128xi1>, vector<2304x128xi32>
    %slice3A_224 = vector.extract_strided_slice %dot_general3A_217 {offsets = [0, 128], sizes = [2304, 128], strides = [1, 1]} : vector<2304x2048xf32> to vector<2304x128xf32>
    %gt3A_225 = arith.cmpf ogt, %slice3A_224, %select_n3A_220 : vector<2304x128xf32>
    %select_n3A_226 = arith.select %gt3A_225, %slice3A_224, %select_n3A_220 : vector<2304x128xi1>, vector<2304x128xf32>
    %jit3A_227 = arith.constant 33 : i32
    %broadcast_in_dim3A_228 = vector.broadcast %jit3A_227 : i32 to vector<2304x128xi32>
    %select_n3A_229 = arith.select %gt3A_225, %broadcast_in_dim3A_228, %select_n3A_223 : vector<2304x128xi1>, vector<2304x128xi32>
    %slice3A_230 = vector.extract_strided_slice %dot_general3A_217 {offsets = [0, 256], sizes = [2304, 128], strides = [1, 1]} : vector<2304x2048xf32> to vector<2304x128xf32>
    %gt3A_231 = arith.cmpf ogt, %slice3A_230, %select_n3A_226 : vector<2304x128xf32>
    %select_n3A_232 = arith.select %gt3A_231, %slice3A_230, %select_n3A_226 : vector<2304x128xi1>, vector<2304x128xf32>
    %jit3A_233 = arith.constant 34 : i32
    %broadcast_in_dim3A_234 = vector.broadcast %jit3A_233 : i32 to vector<2304x128xi32>
    %select_n3A_235 = arith.select %gt3A_231, %broadcast_in_dim3A_234, %select_n3A_229 : vector<2304x128xi1>, vector<2304x128xi32>
    %slice3A_236 = vector.extract_strided_slice %dot_general3A_217 {offsets = [0, 384], sizes = [2304, 128], strides = [1, 1]} : vector<2304x2048xf32> to vector<2304x128xf32>
    %gt3A_237 = arith.cmpf ogt, %slice3A_236, %select_n3A_232 : vector<2304x128xf32>
    %select_n3A_238 = arith.select %gt3A_237, %slice3A_236, %select_n3A_232 : vector<2304x128xi1>, vector<2304x128xf32>
    %jit3A_239 = arith.constant 35 : i32
    %broadcast_in_dim3A_240 = vector.broadcast %jit3A_239 : i32 to vector<2304x128xi32>
    %select_n3A_241 = arith.select %gt3A_237, %broadcast_in_dim3A_240, %select_n3A_235 : vector<2304x128xi1>, vector<2304x128xi32>
    %slice3A_242 = vector.extract_strided_slice %dot_general3A_217 {offsets = [0, 512], sizes = [2304, 128], strides = [1, 1]} : vector<2304x2048xf32> to vector<2304x128xf32>
    %gt3A_243 = arith.cmpf ogt, %slice3A_242, %select_n3A_238 : vector<2304x128xf32>
    %select_n3A_244 = arith.select %gt3A_243, %slice3A_242, %select_n3A_238 : vector<2304x128xi1>, vector<2304x128xf32>
    %jit3A_245 = arith.constant 36 : i32
    %broadcast_in_dim3A_246 = vector.broadcast %jit3A_245 : i32 to vector<2304x128xi32>
    %select_n3A_247 = arith.select %gt3A_243, %broadcast_in_dim3A_246, %select_n3A_241 : vector<2304x128xi1>, vector<2304x128xi32>
    %slice3A_248 = vector.extract_strided_slice %dot_general3A_217 {offsets = [0, 640], sizes = [2304, 128], strides = [1, 1]} : vector<2304x2048xf32> to vector<2304x128xf32>
    %gt3A_249 = arith.cmpf ogt, %slice3A_248, %select_n3A_244 : vector<2304x128xf32>
    %select_n3A_250 = arith.select %gt3A_249, %slice3A_248, %select_n3A_244 : vector<2304x128xi1>, vector<2304x128xf32>
    %jit3A_251 = arith.constant 37 : i32
    %broadcast_in_dim3A_252 = vector.broadcast %jit3A_251 : i32 to vector<2304x128xi32>
    %select_n3A_253 = arith.select %gt3A_249, %broadcast_in_dim3A_252, %select_n3A_247 : vector<2304x128xi1>, vector<2304x128xi32>
    %slice3A_254 = vector.extract_strided_slice %dot_general3A_217 {offsets = [0, 768], sizes = [2304, 128], strides = [1, 1]} : vector<2304x2048xf32> to vector<2304x128xf32>
    %gt3A_255 = arith.cmpf ogt, %slice3A_254, %select_n3A_250 : vector<2304x128xf32>
    %select_n3A_256 = arith.select %gt3A_255, %slice3A_254, %select_n3A_250 : vector<2304x128xi1>, vector<2304x128xf32>
    %jit3A_257 = arith.constant 38 : i32
    %broadcast_in_dim3A_258 = vector.broadcast %jit3A_257 : i32 to vector<2304x128xi32>
    %select_n3A_259 = arith.select %gt3A_255, %broadcast_in_dim3A_258, %select_n3A_253 : vector<2304x128xi1>, vector<2304x128xi32>
    %slice3A_260 = vector.extract_strided_slice %dot_general3A_217 {offsets = [0, 896], sizes = [2304, 128], strides = [1, 1]} : vector<2304x2048xf32> to vector<2304x128xf32>
    %gt3A_261 = arith.cmpf ogt, %slice3A_260, %select_n3A_256 : vector<2304x128xf32>
    %select_n3A_262 = arith.select %gt3A_261, %slice3A_260, %select_n3A_256 : vector<2304x128xi1>, vector<2304x128xf32>
    %jit3A_263 = arith.constant 39 : i32
    %broadcast_in_dim3A_264 = vector.broadcast %jit3A_263 : i32 to vector<2304x128xi32>
    %select_n3A_265 = arith.select %gt3A_261, %broadcast_in_dim3A_264, %select_n3A_259 : vector<2304x128xi1>, vector<2304x128xi32>
    %slice3A_266 = vector.extract_strided_slice %dot_general3A_217 {offsets = [0, 1024], sizes = [2304, 128], strides = [1, 1]} : vector<2304x2048xf32> to vector<2304x128xf32>
    %gt3A_267 = arith.cmpf ogt, %slice3A_266, %select_n3A_262 : vector<2304x128xf32>
    %select_n3A_268 = arith.select %gt3A_267, %slice3A_266, %select_n3A_262 : vector<2304x128xi1>, vector<2304x128xf32>
    %jit3A_269 = arith.constant 40 : i32
    %broadcast_in_dim3A_270 = vector.broadcast %jit3A_269 : i32 to vector<2304x128xi32>
    %select_n3A_271 = arith.select %gt3A_267, %broadcast_in_dim3A_270, %select_n3A_265 : vector<2304x128xi1>, vector<2304x128xi32>
    %slice3A_272 = vector.extract_strided_slice %dot_general3A_217 {offsets = [0, 1152], sizes = [2304, 128], strides = [1, 1]} : vector<2304x2048xf32> to vector<2304x128xf32>
    %gt3A_273 = arith.cmpf ogt, %slice3A_272, %select_n3A_268 : vector<2304x128xf32>
    %select_n3A_274 = arith.select %gt3A_273, %slice3A_272, %select_n3A_268 : vector<2304x128xi1>, vector<2304x128xf32>
    %jit3A_275 = arith.constant 41 : i32
    %broadcast_in_dim3A_276 = vector.broadcast %jit3A_275 : i32 to vector<2304x128xi32>
    %select_n3A_277 = arith.select %gt3A_273, %broadcast_in_dim3A_276, %select_n3A_271 : vector<2304x128xi1>, vector<2304x128xi32>
    %slice3A_278 = vector.extract_strided_slice %dot_general3A_217 {offsets = [0, 1280], sizes = [2304, 128], strides = [1, 1]} : vector<2304x2048xf32> to vector<2304x128xf32>
    %gt3A_279 = arith.cmpf ogt, %slice3A_278, %select_n3A_274 : vector<2304x128xf32>
    %select_n3A_280 = arith.select %gt3A_279, %slice3A_278, %select_n3A_274 : vector<2304x128xi1>, vector<2304x128xf32>
    %jit3A_281 = arith.constant 42 : i32
    %broadcast_in_dim3A_282 = vector.broadcast %jit3A_281 : i32 to vector<2304x128xi32>
    %select_n3A_283 = arith.select %gt3A_279, %broadcast_in_dim3A_282, %select_n3A_277 : vector<2304x128xi1>, vector<2304x128xi32>
    %slice3A_284 = vector.extract_strided_slice %dot_general3A_217 {offsets = [0, 1408], sizes = [2304, 128], strides = [1, 1]} : vector<2304x2048xf32> to vector<2304x128xf32>
    %gt3A_285 = arith.cmpf ogt, %slice3A_284, %select_n3A_280 : vector<2304x128xf32>
    %select_n3A_286 = arith.select %gt3A_285, %slice3A_284, %select_n3A_280 : vector<2304x128xi1>, vector<2304x128xf32>
    %jit3A_287 = arith.constant 43 : i32
    %broadcast_in_dim3A_288 = vector.broadcast %jit3A_287 : i32 to vector<2304x128xi32>
    %select_n3A_289 = arith.select %gt3A_285, %broadcast_in_dim3A_288, %select_n3A_283 : vector<2304x128xi1>, vector<2304x128xi32>
    %slice3A_290 = vector.extract_strided_slice %dot_general3A_217 {offsets = [0, 1536], sizes = [2304, 128], strides = [1, 1]} : vector<2304x2048xf32> to vector<2304x128xf32>
    %gt3A_291 = arith.cmpf ogt, %slice3A_290, %select_n3A_286 : vector<2304x128xf32>
    %select_n3A_292 = arith.select %gt3A_291, %slice3A_290, %select_n3A_286 : vector<2304x128xi1>, vector<2304x128xf32>
    %jit3A_293 = arith.constant 44 : i32
    %broadcast_in_dim3A_294 = vector.broadcast %jit3A_293 : i32 to vector<2304x128xi32>
    %select_n3A_295 = arith.select %gt3A_291, %broadcast_in_dim3A_294, %select_n3A_289 : vector<2304x128xi1>, vector<2304x128xi32>
    %slice3A_296 = vector.extract_strided_slice %dot_general3A_217 {offsets = [0, 1664], sizes = [2304, 128], strides = [1, 1]} : vector<2304x2048xf32> to vector<2304x128xf32>
    %gt3A_297 = arith.cmpf ogt, %slice3A_296, %select_n3A_292 : vector<2304x128xf32>
    %select_n3A_298 = arith.select %gt3A_297, %slice3A_296, %select_n3A_292 : vector<2304x128xi1>, vector<2304x128xf32>
    %jit3A_299 = arith.constant 45 : i32
    %broadcast_in_dim3A_300 = vector.broadcast %jit3A_299 : i32 to vector<2304x128xi32>
    %select_n3A_301 = arith.select %gt3A_297, %broadcast_in_dim3A_300, %select_n3A_295 : vector<2304x128xi1>, vector<2304x128xi32>
    %slice3A_302 = vector.extract_strided_slice %dot_general3A_217 {offsets = [0, 1792], sizes = [2304, 128], strides = [1, 1]} : vector<2304x2048xf32> to vector<2304x128xf32>
    %gt3A_303 = arith.cmpf ogt, %slice3A_302, %select_n3A_298 : vector<2304x128xf32>
    %select_n3A_304 = arith.select %gt3A_303, %slice3A_302, %select_n3A_298 : vector<2304x128xi1>, vector<2304x128xf32>
    %jit3A_305 = arith.constant 46 : i32
    %broadcast_in_dim3A_306 = vector.broadcast %jit3A_305 : i32 to vector<2304x128xi32>
    %select_n3A_307 = arith.select %gt3A_303, %broadcast_in_dim3A_306, %select_n3A_301 : vector<2304x128xi1>, vector<2304x128xi32>
    %slice3A_308 = vector.extract_strided_slice %dot_general3A_217 {offsets = [0, 1920], sizes = [2304, 128], strides = [1, 1]} : vector<2304x2048xf32> to vector<2304x128xf32>
    %gt3A_309 = arith.cmpf ogt, %slice3A_308, %select_n3A_304 : vector<2304x128xf32>
    %select_n3A_310 = arith.select %gt3A_309, %slice3A_308, %select_n3A_304 : vector<2304x128xi1>, vector<2304x128xf32>
    %jit3A_311 = arith.constant 47 : i32
    %broadcast_in_dim3A_312 = vector.broadcast %jit3A_311 : i32 to vector<2304x128xi32>
    %select_n3A_313 = arith.select %gt3A_309, %broadcast_in_dim3A_312, %select_n3A_307 : vector<2304x128xi1>, vector<2304x128xi32>
    %get3A_314 = arith.constant 6144 : index
    %get3A_315 = arith.constant 0 : index
    %get3A_316 = vector.load %arg5[%get3A_314, %get3A_315] : memref<8192x32xf32, #tpu.memory_space<vmem>>, vector<2048x32xf32>
    %dot_general3A_317 = arith.constant dense<0.000000e+00> : vector<2304x2048xf32>
    %dot_general3A_318 = tpu.matmul %div3A_15, %get3A_316, %dot_general3A_317 {dimension_numbers = #tpu.dot_dimension_numbers<[1], [1], [0], [0], [0, 0, 1, 0], [], []>, transpose_lhs_hint = false} : vector<2304x32xf32>, vector<2048x32xf32>, vector<2304x2048xf32> -> vector<2304x2048xf32>
    %slice3A_319 = vector.extract_strided_slice %dot_general3A_318 {offsets = [0, 0], sizes = [2304, 128], strides = [1, 1]} : vector<2304x2048xf32> to vector<2304x128xf32>
    %gt3A_320 = arith.cmpf ogt, %slice3A_319, %select_n3A_310 : vector<2304x128xf32>
    %select_n3A_321 = arith.select %gt3A_320, %slice3A_319, %select_n3A_310 : vector<2304x128xi1>, vector<2304x128xf32>
    %jit3A_322 = arith.constant 48 : i32
    %broadcast_in_dim3A_323 = vector.broadcast %jit3A_322 : i32 to vector<2304x128xi32>
    %select_n3A_324 = arith.select %gt3A_320, %broadcast_in_dim3A_323, %select_n3A_313 : vector<2304x128xi1>, vector<2304x128xi32>
    %slice3A_325 = vector.extract_strided_slice %dot_general3A_318 {offsets = [0, 128], sizes = [2304, 128], strides = [1, 1]} : vector<2304x2048xf32> to vector<2304x128xf32>
    %gt3A_326 = arith.cmpf ogt, %slice3A_325, %select_n3A_321 : vector<2304x128xf32>
    %select_n3A_327 = arith.select %gt3A_326, %slice3A_325, %select_n3A_321 : vector<2304x128xi1>, vector<2304x128xf32>
    %jit3A_328 = arith.constant 49 : i32
    %broadcast_in_dim3A_329 = vector.broadcast %jit3A_328 : i32 to vector<2304x128xi32>
    %select_n3A_330 = arith.select %gt3A_326, %broadcast_in_dim3A_329, %select_n3A_324 : vector<2304x128xi1>, vector<2304x128xi32>
    %slice3A_331 = vector.extract_strided_slice %dot_general3A_318 {offsets = [0, 256], sizes = [2304, 128], strides = [1, 1]} : vector<2304x2048xf32> to vector<2304x128xf32>
    %gt3A_332 = arith.cmpf ogt, %slice3A_331, %select_n3A_327 : vector<2304x128xf32>
    %select_n3A_333 = arith.select %gt3A_332, %slice3A_331, %select_n3A_327 : vector<2304x128xi1>, vector<2304x128xf32>
    %jit3A_334 = arith.constant 50 : i32
    %broadcast_in_dim3A_335 = vector.broadcast %jit3A_334 : i32 to vector<2304x128xi32>
    %select_n3A_336 = arith.select %gt3A_332, %broadcast_in_dim3A_335, %select_n3A_330 : vector<2304x128xi1>, vector<2304x128xi32>
    %slice3A_337 = vector.extract_strided_slice %dot_general3A_318 {offsets = [0, 384], sizes = [2304, 128], strides = [1, 1]} : vector<2304x2048xf32> to vector<2304x128xf32>
    %gt3A_338 = arith.cmpf ogt, %slice3A_337, %select_n3A_333 : vector<2304x128xf32>
    %select_n3A_339 = arith.select %gt3A_338, %slice3A_337, %select_n3A_333 : vector<2304x128xi1>, vector<2304x128xf32>
    %jit3A_340 = arith.constant 51 : i32
    %broadcast_in_dim3A_341 = vector.broadcast %jit3A_340 : i32 to vector<2304x128xi32>
    %select_n3A_342 = arith.select %gt3A_338, %broadcast_in_dim3A_341, %select_n3A_336 : vector<2304x128xi1>, vector<2304x128xi32>
    %slice3A_343 = vector.extract_strided_slice %dot_general3A_318 {offsets = [0, 512], sizes = [2304, 128], strides = [1, 1]} : vector<2304x2048xf32> to vector<2304x128xf32>
    %gt3A_344 = arith.cmpf ogt, %slice3A_343, %select_n3A_339 : vector<2304x128xf32>
    %select_n3A_345 = arith.select %gt3A_344, %slice3A_343, %select_n3A_339 : vector<2304x128xi1>, vector<2304x128xf32>
    %jit3A_346 = arith.constant 52 : i32
    %broadcast_in_dim3A_347 = vector.broadcast %jit3A_346 : i32 to vector<2304x128xi32>
    %select_n3A_348 = arith.select %gt3A_344, %broadcast_in_dim3A_347, %select_n3A_342 : vector<2304x128xi1>, vector<2304x128xi32>
    %slice3A_349 = vector.extract_strided_slice %dot_general3A_318 {offsets = [0, 640], sizes = [2304, 128], strides = [1, 1]} : vector<2304x2048xf32> to vector<2304x128xf32>
    %gt3A_350 = arith.cmpf ogt, %slice3A_349, %select_n3A_345 : vector<2304x128xf32>
    %select_n3A_351 = arith.select %gt3A_350, %slice3A_349, %select_n3A_345 : vector<2304x128xi1>, vector<2304x128xf32>
    %jit3A_352 = arith.constant 53 : i32
    %broadcast_in_dim3A_353 = vector.broadcast %jit3A_352 : i32 to vector<2304x128xi32>
    %select_n3A_354 = arith.select %gt3A_350, %broadcast_in_dim3A_353, %select_n3A_348 : vector<2304x128xi1>, vector<2304x128xi32>
    %slice3A_355 = vector.extract_strided_slice %dot_general3A_318 {offsets = [0, 768], sizes = [2304, 128], strides = [1, 1]} : vector<2304x2048xf32> to vector<2304x128xf32>
    %gt3A_356 = arith.cmpf ogt, %slice3A_355, %select_n3A_351 : vector<2304x128xf32>
    %select_n3A_357 = arith.select %gt3A_356, %slice3A_355, %select_n3A_351 : vector<2304x128xi1>, vector<2304x128xf32>
    %jit3A_358 = arith.constant 54 : i32
    %broadcast_in_dim3A_359 = vector.broadcast %jit3A_358 : i32 to vector<2304x128xi32>
    %select_n3A_360 = arith.select %gt3A_356, %broadcast_in_dim3A_359, %select_n3A_354 : vector<2304x128xi1>, vector<2304x128xi32>
    %slice3A_361 = vector.extract_strided_slice %dot_general3A_318 {offsets = [0, 896], sizes = [2304, 128], strides = [1, 1]} : vector<2304x2048xf32> to vector<2304x128xf32>
    %gt3A_362 = arith.cmpf ogt, %slice3A_361, %select_n3A_357 : vector<2304x128xf32>
    %select_n3A_363 = arith.select %gt3A_362, %slice3A_361, %select_n3A_357 : vector<2304x128xi1>, vector<2304x128xf32>
    %jit3A_364 = arith.constant 55 : i32
    %broadcast_in_dim3A_365 = vector.broadcast %jit3A_364 : i32 to vector<2304x128xi32>
    %select_n3A_366 = arith.select %gt3A_362, %broadcast_in_dim3A_365, %select_n3A_360 : vector<2304x128xi1>, vector<2304x128xi32>
    %slice3A_367 = vector.extract_strided_slice %dot_general3A_318 {offsets = [0, 1024], sizes = [2304, 128], strides = [1, 1]} : vector<2304x2048xf32> to vector<2304x128xf32>
    %gt3A_368 = arith.cmpf ogt, %slice3A_367, %select_n3A_363 : vector<2304x128xf32>
    %select_n3A_369 = arith.select %gt3A_368, %slice3A_367, %select_n3A_363 : vector<2304x128xi1>, vector<2304x128xf32>
    %jit3A_370 = arith.constant 56 : i32
    %broadcast_in_dim3A_371 = vector.broadcast %jit3A_370 : i32 to vector<2304x128xi32>
    %select_n3A_372 = arith.select %gt3A_368, %broadcast_in_dim3A_371, %select_n3A_366 : vector<2304x128xi1>, vector<2304x128xi32>
    %slice3A_373 = vector.extract_strided_slice %dot_general3A_318 {offsets = [0, 1152], sizes = [2304, 128], strides = [1, 1]} : vector<2304x2048xf32> to vector<2304x128xf32>
    %gt3A_374 = arith.cmpf ogt, %slice3A_373, %select_n3A_369 : vector<2304x128xf32>
    %select_n3A_375 = arith.select %gt3A_374, %slice3A_373, %select_n3A_369 : vector<2304x128xi1>, vector<2304x128xf32>
    %jit3A_376 = arith.constant 57 : i32
    %broadcast_in_dim3A_377 = vector.broadcast %jit3A_376 : i32 to vector<2304x128xi32>
    %select_n3A_378 = arith.select %gt3A_374, %broadcast_in_dim3A_377, %select_n3A_372 : vector<2304x128xi1>, vector<2304x128xi32>
    %slice3A_379 = vector.extract_strided_slice %dot_general3A_318 {offsets = [0, 1280], sizes = [2304, 128], strides = [1, 1]} : vector<2304x2048xf32> to vector<2304x128xf32>
    %gt3A_380 = arith.cmpf ogt, %slice3A_379, %select_n3A_375 : vector<2304x128xf32>
    %select_n3A_381 = arith.select %gt3A_380, %slice3A_379, %select_n3A_375 : vector<2304x128xi1>, vector<2304x128xf32>
    %jit3A_382 = arith.constant 58 : i32
    %broadcast_in_dim3A_383 = vector.broadcast %jit3A_382 : i32 to vector<2304x128xi32>
    %select_n3A_384 = arith.select %gt3A_380, %broadcast_in_dim3A_383, %select_n3A_378 : vector<2304x128xi1>, vector<2304x128xi32>
    %slice3A_385 = vector.extract_strided_slice %dot_general3A_318 {offsets = [0, 1408], sizes = [2304, 128], strides = [1, 1]} : vector<2304x2048xf32> to vector<2304x128xf32>
    %gt3A_386 = arith.cmpf ogt, %slice3A_385, %select_n3A_381 : vector<2304x128xf32>
    %select_n3A_387 = arith.select %gt3A_386, %slice3A_385, %select_n3A_381 : vector<2304x128xi1>, vector<2304x128xf32>
    %jit3A_388 = arith.constant 59 : i32
    %broadcast_in_dim3A_389 = vector.broadcast %jit3A_388 : i32 to vector<2304x128xi32>
    %select_n3A_390 = arith.select %gt3A_386, %broadcast_in_dim3A_389, %select_n3A_384 : vector<2304x128xi1>, vector<2304x128xi32>
    %slice3A_391 = vector.extract_strided_slice %dot_general3A_318 {offsets = [0, 1536], sizes = [2304, 128], strides = [1, 1]} : vector<2304x2048xf32> to vector<2304x128xf32>
    %gt3A_392 = arith.cmpf ogt, %slice3A_391, %select_n3A_387 : vector<2304x128xf32>
    %select_n3A_393 = arith.select %gt3A_392, %slice3A_391, %select_n3A_387 : vector<2304x128xi1>, vector<2304x128xf32>
    %jit3A_394 = arith.constant 60 : i32
    %broadcast_in_dim3A_395 = vector.broadcast %jit3A_394 : i32 to vector<2304x128xi32>
    %select_n3A_396 = arith.select %gt3A_392, %broadcast_in_dim3A_395, %select_n3A_390 : vector<2304x128xi1>, vector<2304x128xi32>
    %slice3A_397 = vector.extract_strided_slice %dot_general3A_318 {offsets = [0, 1664], sizes = [2304, 128], strides = [1, 1]} : vector<2304x2048xf32> to vector<2304x128xf32>
    %gt3A_398 = arith.cmpf ogt, %slice3A_397, %select_n3A_393 : vector<2304x128xf32>
    %select_n3A_399 = arith.select %gt3A_398, %slice3A_397, %select_n3A_393 : vector<2304x128xi1>, vector<2304x128xf32>
    %jit3A_400 = arith.constant 61 : i32
    %broadcast_in_dim3A_401 = vector.broadcast %jit3A_400 : i32 to vector<2304x128xi32>
    %select_n3A_402 = arith.select %gt3A_398, %broadcast_in_dim3A_401, %select_n3A_396 : vector<2304x128xi1>, vector<2304x128xi32>
    %slice3A_403 = vector.extract_strided_slice %dot_general3A_318 {offsets = [0, 1792], sizes = [2304, 128], strides = [1, 1]} : vector<2304x2048xf32> to vector<2304x128xf32>
    %gt3A_404 = arith.cmpf ogt, %slice3A_403, %select_n3A_399 : vector<2304x128xf32>
    %select_n3A_405 = arith.select %gt3A_404, %slice3A_403, %select_n3A_399 : vector<2304x128xi1>, vector<2304x128xf32>
    %jit3A_406 = arith.constant 62 : i32
    %broadcast_in_dim3A_407 = vector.broadcast %jit3A_406 : i32 to vector<2304x128xi32>
    %select_n3A_408 = arith.select %gt3A_404, %broadcast_in_dim3A_407, %select_n3A_402 : vector<2304x128xi1>, vector<2304x128xi32>
    %slice3A_409 = vector.extract_strided_slice %dot_general3A_318 {offsets = [0, 1920], sizes = [2304, 128], strides = [1, 1]} : vector<2304x2048xf32> to vector<2304x128xf32>
    %gt3A_410 = arith.cmpf ogt, %slice3A_409, %select_n3A_405 : vector<2304x128xf32>
    %select_n3A_411 = arith.select %gt3A_410, %slice3A_409, %select_n3A_405 : vector<2304x128xi1>, vector<2304x128xf32>
    %jit3A_412 = arith.constant 63 : i32
    %broadcast_in_dim3A_413 = vector.broadcast %jit3A_412 : i32 to vector<2304x128xi32>
    %select_n3A_414 = arith.select %gt3A_410, %broadcast_in_dim3A_413, %select_n3A_408 : vector<2304x128xi1>, vector<2304x128xi32>
    %iota3A = tpu.iota {dimensions = array<i32: 1>} : vector<2304x128xi32>
    %mul3A_415 = arith.constant 128 : i32
    %mul3A_416 = vector.broadcast %mul3A_415 : i32 to vector<2304x128xi32>
    %mul3A_417 = arith.muli %select_n3A_414, %mul3A_416 : vector<2304x128xi32>
    %add3A_418 = arith.addi %mul3A_417, %iota3A : vector<2304x128xi32>
    %reduce_max3A = arith.constant dense<0xFF800000> : vector<2304xf32>
    %reduce_max3A_419 = vector.multi_reduction <maximumf>, %select_n3A_411, %reduce_max3A [1] : vector<2304x128xf32> to vector<2304xf32>
    %broadcast_in_dim3A_420 = vector.shape_cast %reduce_max3A_419 : vector<2304xf32> to vector<2304x1xf32>
    %eq3A = vector.broadcast %broadcast_in_dim3A_420 : vector<2304x1xf32> to vector<2304x128xf32>
    %eq3A_421 = arith.cmpf oeq, %select_n3A_411, %eq3A : vector<2304x128xf32>
    %jit3A_422 = arith.constant 2147483647 : i32
    %broadcast_in_dim3A_423 = vector.broadcast %jit3A_422 : i32 to vector<2304x128xi32>
    %select_n3A_424 = arith.select %eq3A_421, %add3A_418, %broadcast_in_dim3A_423 : vector<2304x128xi1>, vector<2304x128xi32>
    %reduce_min3A = arith.constant dense<2147483647> : vector<2304xi32>
    %reduce_min3A_425 = vector.multi_reduction <minsi>, %select_n3A_424, %reduce_min3A [1] : vector<2304x128xi32> to vector<2304xi32>
    %reshape3A_426 = vector.shape_cast %reduce_min3A_425 : vector<2304xi32> to vector<1x1x1x2304xi32>
    %swap3A_427 = arith.constant 0 : index
    %swap3A_428 = arith.constant 0 : index
    %swap3A_429 = arith.constant 0 : index
    %swap3A_430 = arith.constant 0 : index
    %swap3A_431 = vector.load %arg6[%swap3A_427, %swap3A_428, %swap3A_429, %swap3A_430] : memref<1x1x1x2304xi32, #tpu.memory_space<vmem>>, vector<1x1x1x2304xi32>
    tpu.vector_store %arg6[%swap3A_427, %swap3A_428, %swap3A_429, %swap3A_430], %reshape3A_426 {strides = array<i32>} : memref<1x1x1x2304xi32, #tpu.memory_space<vmem>>, vector<1x1x1x2304xi32>,
    return
  }
  func.func @transform_0(%arg0: i32, %arg1: i32) -> (i32, i32, i32, i32) {
    %c0_i32 = arith.constant 0 : i32
    %c0_i32_0 = arith.constant 0 : i32
    %c0_i32_1 = arith.constant 0 : i32
    return %arg0, %arg1, %c0_i32, %c0_i32_0 : i32, i32, i32, i32
  }
  func.func @transform_1(%arg0: i32, %arg1: i32) -> (i32, i32) {
    %c0_i32 = arith.constant 0 : i32
    %c0_i32_0 = arith.constant 0 : i32
    %c0_i32_1 = arith.constant 0 : i32
    return %c0_i32, %c0_i32_0 : i32, i32
  }
  func.func @transform_2(%arg0: i32, %arg1: i32) -> (i32, i32) {
    %c0_i32 = arith.constant 0 : i32
    %c0_i32_0 = arith.constant 0 : i32
    %c0_i32_1 = arith.constant 0 : i32
    return %c0_i32, %c0_i32_0 : i32, i32
  }
  func.func @transform_3(%arg0: i32, %arg1: i32) -> (i32, i32) {
    %c0_i32 = arith.constant 0 : i32
    %c0_i32_0 = arith.constant 0 : i32
    %c0_i32_1 = arith.constant 0 : i32
    return %c0_i32, %c0_i32_0 : i32, i32
  }
  func.func @transform_4(%arg0: i32, %arg1: i32) -> (i32, i32, i32, i32) {
    %c0_i32 = arith.constant 0 : i32
    %c0_i32_0 = arith.constant 0 : i32
    %c0_i32_1 = arith.constant 0 : i32
    return %arg0, %arg1, %c0_i32, %c0_i32_0 : i32, i32, i32, i32
  }
  func.func @transform_5(%arg0: i32, %arg1: i32) -> (i32, i32) {
    %mul3A = arith.constant 1 : i32
    %mul3A_0 = arith.muli %arg0, %mul3A : i32
    %add3A = arith.addi %mul3A_0, %arg1 : i32
    %c0_i32 = arith.constant 0 : i32
    %c0_i32_1 = arith.constant 0 : i32
    return %add3A, %c0_i32 : i32, i32
  }
}

module attributes {stable_mosaic.version = 14 : i64} {
  func.func @_out_body(%arg0: i32, %arg1: i32, %arg2: memref<2304x128xf32, #tpu.memory_space<vmem>>, %arg3: memref<2304x32xf32, #tpu.memory_space<vmem>>, %arg4: memref<768x32xf32, #tpu.memory_space<vmem>>, %arg5: memref<1x768xf32, #tpu.memory_space<vmem>>, %arg6: memref<1x576x4x768xf32, #tpu.memory_space<vmem>>, %arg7: memref<1x1xf32, #tpu.memory_space<vmem>>) attributes {dimension_semantics = [#tpu.dimension_semantics<arbitrary>, #tpu.dimension_semantics<arbitrary>], iteration_bounds = array<i64: 16, 1>, scalar_prefetch = 0 : i64, scratch_operands = 0 : i64, tpu.core_type = #tpu.core_type<tc>, window_params = [{transform_indices = @transform_0, window_bounds = array<i64: 2304, 128>}, {transform_indices = @transform_1, window_bounds = array<i64: 2304, 32>}, {pipeline_mode = #tpu.pipeline_mode<synchronous>, transform_indices = @transform_2, window_bounds = array<i64: 768, 32>}, {pipeline_mode = #tpu.pipeline_mode<synchronous>, transform_indices = @transform_3, window_bounds = array<i64: 1, 768>}, {transform_indices = @transform_4, window_bounds = array<i64: 1, 576, 4, 768>}, {pipeline_mode = #tpu.pipeline_mode<synchronous>, transform_indices = @transform_5, window_bounds = array<i64: 1, 1>}]} {
    %get3A = arith.constant 0 : index
    %get3A_0 = arith.constant 0 : index
    %get3A_1 = vector.load %arg2[%get3A, %get3A_0] : memref<2304x128xf32, #tpu.memory_space<vmem>>, vector<2304x128xf32>
    %slice3A = vector.extract_strided_slice %get3A_1 {offsets = [0, 0], sizes = [2304, 32], strides = [1, 1]} : vector<2304x128xf32> to vector<2304x32xf32>
    %get3A_2 = arith.constant 0 : index
    %get3A_3 = arith.constant 0 : index
    %get3A_4 = vector.load %arg4[%get3A_2, %get3A_3] : memref<768x32xf32, #tpu.memory_space<vmem>>, vector<768x32xf32>
    %dot_general3A = arith.constant dense<0.000000e+00> : vector<2304x768xf32>
    %dot_general3A_5 = tpu.matmul %slice3A, %get3A_4, %dot_general3A {dimension_numbers = #tpu.dot_dimension_numbers<[1], [1], [0], [0], [0, 0, 1, 0], [], []>, transpose_lhs_hint = false} : vector<2304x32xf32>, vector<768x32xf32>, vector<2304x768xf32> -> vector<2304x768xf32>
    %get3A_6 = arith.constant 0 : index
    %get3A_7 = arith.constant 0 : index
    %get3A_8 = vector.load %arg5[%get3A_6, %get3A_7] : memref<1x768xf32, #tpu.memory_space<vmem>>, vector<1x768xf32>
    %add3A = vector.broadcast %get3A_8 : vector<1x768xf32> to vector<2304x768xf32>
    %add3A_9 = arith.addf %dot_general3A_5, %add3A : vector<2304x768xf32>
    %reshape3A = vector.shape_cast %add3A_9 : vector<2304x768xf32> to vector<1x576x4x768xf32>
    %swap3A = arith.constant 0 : index
    %swap3A_10 = arith.constant 0 : index
    %swap3A_11 = arith.constant 0 : index
    %swap3A_12 = arith.constant 0 : index
    %swap3A_13 = vector.load %arg6[%swap3A, %swap3A_10, %swap3A_11, %swap3A_12] : memref<1x576x4x768xf32, #tpu.memory_space<vmem>>, vector<1x576x4x768xf32>
    tpu.vector_store %arg6[%swap3A, %swap3A_10, %swap3A_11, %swap3A_12], %reshape3A {strides = array<i32>} : memref<1x576x4x768xf32, #tpu.memory_space<vmem>>, vector<1x576x4x768xf32>,
    %get3A_14 = arith.constant 0 : index
    %get3A_15 = arith.constant 0 : index
    %get3A_16 = vector.load %arg3[%get3A_14, %get3A_15] : memref<2304x32xf32, #tpu.memory_space<vmem>>, vector<2304x32xf32>
    %sub3A = arith.subf %get3A_16, %slice3A : vector<2304x32xf32>
    %eq3A = arith.constant 0 : i32
    %eq3A_17 = arith.cmpi eq, %arg0, %eq3A : i32
    %eq3A_18 = arith.constant 0 : i32
    %eq3A_19 = arith.cmpi eq, %arg1, %eq3A_18 : i32
    %and3A = arith.andi %eq3A_17, %eq3A_19 : i1
    %convert_element_type3A = arith.extui %and3A : i1 to i32
    %cond3A = arith.constant 0 : i32
    %cond3A_20 = arith.cmpi ne, %convert_element_type3A, %cond3A : i32
    scf.if %cond3A_20 {
      %broadcast_in_dim3A = arith.constant 0.000000e+00 : f32
      %broadcast_in_dim3A_33 = vector.broadcast %broadcast_in_dim3A : f32 to vector<1x1xf32>
      %swap3A_34 = arith.constant 0 : index
      %swap3A_35 = arith.constant 0 : index
      %swap3A_36 = vector.load %arg7[%swap3A_34, %swap3A_35] : memref<1x1xf32, #tpu.memory_space<vmem>>, vector<1x1xf32>
      tpu.vector_store %arg7[%swap3A_34, %swap3A_35], %broadcast_in_dim3A_33 {strides = array<i32>} : memref<1x1xf32, #tpu.memory_space<vmem>>, vector<1x1xf32>,
    } else {
    }
    %get3A_21 = arith.constant 0 : index
    %get3A_22 = arith.constant 0 : index
    %get3A_23 = vector.load %arg7[%get3A_21, %get3A_22] : memref<1x1xf32, #tpu.memory_space<vmem>>, vector<1x1xf32>
    %mul3A = arith.mulf %sub3A, %sub3A : vector<2304x32xf32>
    %reduce_sum3A = vector.shape_cast %mul3A : vector<2304x32xf32> to vector<1x2304x32xf32>
    %reduce_sum3A_24 = arith.constant dense<0.000000e+00> : vector<1xf32>
    %reduce_sum3A_25 = vector.multi_reduction <add>, %reduce_sum3A, %reduce_sum3A_24 [1, 2] : vector<1x2304x32xf32> to vector<1xf32>
    %reduce_sum3A_26 = vector.shape_cast %reduce_sum3A_25 : vector<1xf32> to vector<1x1x1xf32>
    %reduce_sum3A_27 = vector.extract %reduce_sum3A_26[0, 0, 0] : f32 from vector<1x1x1xf32>
    %add3A_28 = vector.broadcast %reduce_sum3A_27 : f32 to vector<1x1xf32>
    %add3A_29 = arith.addf %get3A_23, %add3A_28 : vector<1x1xf32>
    %swap3A_30 = arith.constant 0 : index
    %swap3A_31 = arith.constant 0 : index
    %swap3A_32 = vector.load %arg7[%swap3A_30, %swap3A_31] : memref<1x1xf32, #tpu.memory_space<vmem>>, vector<1x1xf32>
    tpu.vector_store %arg7[%swap3A_30, %swap3A_31], %add3A_29 {strides = array<i32>} : memref<1x1xf32, #tpu.memory_space<vmem>>, vector<1x1xf32>,
    return
  }
  func.func @transform_0(%arg0: i32, %arg1: i32) -> (i32, i32) {
    %mul3A = arith.constant 1 : i32
    %mul3A_0 = arith.muli %arg0, %mul3A : i32
    %add3A = arith.addi %mul3A_0, %arg1 : i32
    %c0_i32 = arith.constant 0 : i32
    %c0_i32_1 = arith.constant 0 : i32
    return %add3A, %c0_i32 : i32, i32
  }
  func.func @transform_1(%arg0: i32, %arg1: i32) -> (i32, i32) {
    %mul3A = arith.constant 1 : i32
    %mul3A_0 = arith.muli %arg0, %mul3A : i32
    %add3A = arith.addi %mul3A_0, %arg1 : i32
    %c0_i32 = arith.constant 0 : i32
    %c0_i32_1 = arith.constant 0 : i32
    return %add3A, %c0_i32 : i32, i32
  }
  func.func @transform_2(%arg0: i32, %arg1: i32) -> (i32, i32) {
    %c0_i32 = arith.constant 0 : i32
    %c0_i32_0 = arith.constant 0 : i32
    %c0_i32_1 = arith.constant 0 : i32
    return %c0_i32, %c0_i32_0 : i32, i32
  }
  func.func @transform_3(%arg0: i32, %arg1: i32) -> (i32, i32) {
    %c0_i32 = arith.constant 0 : i32
    %c0_i32_0 = arith.constant 0 : i32
    %c0_i32_1 = arith.constant 0 : i32
    return %c0_i32, %c0_i32_0 : i32, i32
  }
  func.func @transform_4(%arg0: i32, %arg1: i32) -> (i32, i32, i32, i32) {
    %c0_i32 = arith.constant 0 : i32
    %c0_i32_0 = arith.constant 0 : i32
    %c0_i32_1 = arith.constant 0 : i32
    return %arg0, %arg1, %c0_i32, %c0_i32_0 : i32, i32, i32, i32
  }
  func.func @transform_5(%arg0: i32, %arg1: i32) -> (i32, i32) {
    %c0_i32 = arith.constant 0 : i32
    %c0_i32_0 = arith.constant 0 : i32
    %c0_i32_1 = arith.constant 0 : i32
    return %c0_i32, %c0_i32_0 : i32, i32
  }
}

</mosaic_0001>

<sc_bundles>
// kernel: kernel.5.cloned.1.call-start
scs
__scs_entry_jumppad:
0x0: {  	(pc) =	sbr.rel $0x88, $3  }
0x1: {  	(tag) =	ssettag $0x0;
	lr =	simm.s32 $0x1  }
0x2: {  	[smem:$0x3F9B] =	sst lr;
	_ =	strace $0xD0000000  }
0x3: {  	_ = 	snop  }
0x4: {  	_ = 	snop  }
0x5: {  	_ = 	snop  }
0x6: {  	_ = 	snop  }
0x7: {  	_ = 	snop  }
__scs_overlays_trampoline_lowered:
0x8: {  	[smem:$0x3FAA] =	sst s0  }
0x9: {  	[smem:$0x3FAB] =	sst s1  }
0xa: {  	[smem:$0x3FAC] =	sst s2  }
0xb: {  	[smem:$0x3FAD] =	sst s3  }
0xc: {  	[smem:$0x3FAE] =	sst s4  }
0xd: {  	[smem:$0x3FAF] =	sst s5  }
0xe: {  	[smem:$0x3FB0] =	sst s6  }
0xf: {  	[smem:$0x3FB1] =	sst s7  }
0x10: {  	[smem:$0x3FB2] =	sst s8  }
0x11: {  	[smem:$0x3FB3] =	sst s9;
	s0 =	simm.s32 @!p0 $0x0  }
0x12: {  	s1 =	sld [smem:$0x3F99];
	s0 =	simm.s32 @p0 $0x1  }
0x13: {  	[smem:$0x3FB4] =	sst s0;
	s0 =	simm.s32 @!p1 $0x0  }
0x14: {  	s2 =	sld [smem:$0x3F98];
	s0 =	simm.s32 @p1 $0x1  }
0x15: {  	[smem:$0x3FB5] =	sst s0;
	s0 =	simm.s32 @!p2 $0x0  }
0x16: {  	s3 =	sld [smem:$0x3FDB];
	s0 =	simm.s32 @p2 $0x1  }
0x17: {  	s4 =	simm.s32 $0x1BF5;
	[smem:$0x3FB7] =	sst s0  }
0x18: {  	s0 =	sld [smem:$0x3F9A];
	_ =	swait.ge [sflag:s4], $0x0  }
0x19: {  	s7 =	sld [smem:$0x3F9B]  }
0x1a: {  	s8 =	sadd.s32 $0xFFFFE003, lr  }
0x1b: {  	s9 =	sadd.s32 $0xFFFFFEF7, lr;
	s5 =	simm.s32 $0xFFFFFFFF;
	p2 =	slt.u32 s8, $0xFFFFF086  }
0x1c: {  	p1 =	slt.u32 s9, $0xF7A;
	s5 =	simm.s32 @!p2 $0x0  }
0x1d: {  	s5 =	simm.s32 @p1 $0x1;
	p0 =	seq.s32 s7, s2  }
0x1e: {  	s7 =	smul.u32 @!p0 $0xF7A, s2;
	p2 =	seq.s32 @!p0 s5, $0x0  }
0x1f: {  	s9 =	smul.u32 $0xF7A, s1;
	s8 =	simm.s32 @!p0 $0x1BF5;
	p2 =	por !p2, p0  }
0x20: {  	[sflag:s8] =	ssyncset.s32 @!p0 $0xFFFFF086;
	s6 =	sadd.s32 @!p0 s3, s7;
	s7 =	simm.s32 @!p0 $0x108  }
0x21: {  	s3 =	sadd.s32 s3, s9;
	s6 =	sadd.s32 @!p0 $0x88, s6;
	s7 =	simm.s32 @p2 $0x1082  }
0x22: {  	[simem:s7], [sflag:s8] =	dma.local @!p0 [hbm:s6], $0xF7A  }
0x23: {  	s9 =	sor.u32 $0xD0000000, s2;
	s6 =	simm.s32 $0x108;
	_ =	swait.ge @!p0 [sflag:s8], $0x0  }
0x24: {  	s3 =	sadd.s32 $0x88, s3;
	s6 =	simm.s32 @!p1 $0x1082;
	[sflag:s4] =	ssyncset.s32 $0xFFFFF086  }
0x25: {  	[simem:s6], [sflag:s4] =	dma.local [hbm:s3], $0xF7A  }
0x26: {  	[smem:$0x3F9B] =	sst s1;
	(tag) =	ssettag s2;
	_ =	strace s9  }
0x27: {  	s1 =	sld [smem:$0x3FAB]  }
0x28: {  	s2 =	sld [smem:$0x3FAC]  }
0x29: {  	s4 =	sld [smem:$0x3FAE]  }
0x2a: {  	p0 =	seq.s32 s5, $0x0;
	s5 =	sld [smem:$0x3FAF]  }
0x2b: {  	s6 =	sld [smem:$0x3FB0]  }
0x2c: {  	s7 =	sld [smem:$0x3FB1]  }
0x2d: {  	s3 =	simm.s32 $0x108;
	s8 =	sld [smem:$0x3FB2]  }
0x2e: {  	s3 =	simm.s32 @!p0 $0x1082;
	s9 =	sld [smem:$0x3FB3]  }
0x2f: {  	lr =	sadd.s32 s0, s3;
	s0 =	sld [smem:$0x3FAA]  }
0x30: {  	s3 =	sld [smem:$0x3FAD]  }
0x31: {  	[smem:$0x3FB6] =	sst s10  }
0x32: {  	s10 =	sld [smem:$0x3FB4];
	_ =	sdelay $0x3  }
0x33: {  	p0 =	seq.s32 s10, $0x1;
	s10 =	sld [smem:$0x3FB6];
	_ =	sdelay $0x3  }
0x34: {  	[smem:$0x3FB6] =	sst s10  }
0x35: {  	s10 =	sld [smem:$0x3FB5];
	_ =	sdelay $0x3  }
0x36: {  	p1 =	seq.s32 s10, $0x1;
	s10 =	sld [smem:$0x3FB6];
	_ =	sdelay $0x3  }
0x37: {  	[smem:$0x3FB6] =	sst s10  }
0x38: {  	s10 =	sld [smem:$0x3FB7]  }
0x39: {  	_ = 	snop;
	(pc) =	sbr.ind lr, $3  }
0x3a: {  	_ = 	snop  }
0x3b: {  	_ = 	snop  }
0x3c: {  	p2 =	seq.s32 s10, $0x1;
	s10 =	sld [smem:$0x3FB6]  }
0x3d: {  	_ =	shalt  }
0x3e: {  	_ =	shalt  }
0x3f: {  	_ =	shalt  }
0x40: {  	_ =	shalt  }
0x41: {  	_ =	shalt  }
0x42: {  	_ =	shalt  }
0x43: {  	_ =	shalt  }
0x44: {  	_ =	shalt  }
0x45: {  	_ =	shalt  }
0x46: {  	_ =	shalt  }
0x47: {  	_ =	shalt  }
0x48: {  	_ =	shalt  }
0x49: {  	_ =	shalt  }
0x4a: {  	_ =	shalt  }
0x4b: {  	_ =	shalt  }
0x4c: {  	_ =	shalt  }
0x4d: {  	_ =	shalt  }
0x4e: {  	_ =	shalt  }
0x4f: {  	_ =	shalt  }
0x50: {  	_ =	shalt  }
0x51: {  	_ =	shalt  }
0x52: {  	_ =	shalt  }
0x53: {  	_ =	shalt  }
0x54: {  	_ =	shalt  }
0x55: {  	_ =	shalt  }
0x56: {  	_ =	shalt  }
0x57: {  	_ =	shalt  }
0x58: {  	_ =	shalt  }
0x59: {  	_ =	shalt  }
0x5a: {  	_ =	shalt  }
0x5b: {  	_ =	shalt  }
0x5c: {  	_ =	shalt  }
0x5d: {  	_ =	shalt  }
0x5e: {  	_ =	shalt  }
0x5f: {  	_ =	shalt  }
0x60: {  	_ =	shalt  }
0x61: {  	_ =	shalt  }
0x62: {  	_ =	shalt  }
0x63: {  	_ =	shalt  }
0x64: {  	_ =	shalt  }
0x65: {  	_ =	shalt  }
0x66: {  	_ =	shalt  }
0x67: {  	_ =	shalt  }
0x68: {  	_ =	shalt  }
0x69: {  	_ =	shalt  }
0x6a: {  	_ =	shalt  }
0x6b: {  	_ =	shalt  }
0x6c: {  	_ =	shalt  }
0x6d: {  	_ =	shalt  }
0x6e: {  	_ =	shalt  }
0x6f: {  	_ =	shalt  }
0x70: {  	_ =	shalt  }
0x71: {  	_ =	shalt  }
0x72: {  	_ =	shalt  }
0x73: {  	_ =	shalt  }
0x74: {  	_ =	shalt  }
0x75: {  	_ =	shalt  }
0x76: {  	_ =	shalt  }
0x77: {  	_ =	shalt  }
0x78: {  	_ =	shalt  }
0x79: {  	_ =	shalt  }
0x7a: {  	_ =	shalt  }
0x7b: {  	_ =	shalt  }
0x7c: {  	_ =	shalt  }
0x7d: {  	_ =	shalt  }
0x7e: {  	_ =	shalt  }
0x7f: {  	_ =	shalt  }
0x80: {  	_ =	shalt  }
0x81: {  	_ =	shalt  }
0x82: {  	_ =	shalt  }
0x83: {  	_ =	shalt  }
0x84: {  	_ =	shalt  }
0x85: {  	_ =	shalt  }
0x86: {  	_ =	shalt  }
0x87: {  	_ =	shalt  }
.Lfunc_end0:
.L_simem_size_0:
called_computation_lowered:
.L_overlay_start_0:
0x88: {  	s2 =	sld [smem:$0x3FD9]  }
0x89: {  	s3 =	sld [smem:$0x3FFE];
	_ =	sdelay $0x1  }
0x8a: {  	s1 =	srdreg.scid  }
0x8b: {  	s0 =	sand.u32 $0x1, s1  }
0x8c: {  	s14 =	sshll.u32 s0, $0xA;
	s2 =	sadd.s32 s3, s2  }
0x8d: {  	s2 =	sadd.s32 s2, s14  }
0x8e: {  	[smem:$0x3FC2] =	sst s2  }
0x8f: {  	_ = 	snop  }
0x90: {  	s2 =	sld [smem:$0x3FD0];
	_ =	sdelay $0x2  }
0x91: {  	s15 =	simm.s32 $0xA;
	s4 =	simm.s32 $0x10  }
0x92: {  	[smem:s4], [sflag:s15] =	dma.local [hbm:s2], $0x1  }
0x93: {  	_ =	swait.eq [sflag:s15], $0x1  }
0x94: {  	[sflag:s15] =	ssyncset.done $0x0  }
0x95: {  	[sflag:s15] =	ssyncadd.s32 $0xFFFFFFFF  }
0x96: {  	s16 =	sld [smem:$0x10];
	(tm) =	ssettm $0x1  }
0x97: {  	s17 =	sld [smem:$0x3FFB];
	_ =	sdelay $0x3  }
0x98: {  	_ =	strace s17  }
0x99: {  	s3 =	sld [smem:$0x3FFC];
	_ =	sdelay $0x3  }
0x9a: {  	_ =	strace s3  }
0x9b: {  	s3 =	sld [smem:$0x3FFD];
	_ =	sdelay $0x3  }
0x9c: {  	_ =	strace s3  }
0x9d: {  	_ =	strace $0x8FFFFFFF  }
0x9e: {  	s18 =	sld [smem:$0x3FDB];
	_ =	sdelay $0x1  }
0x9f: {  	s19 =	simm.s32 $_scs_section_size  }
0xa0: {  	s5 =	simm.s32 $_size__tile_overlayer_lowered;
	s6 =	simm.s32 $_tile_overlayer_lowered  }
0xa1: {  	s22 =	simm.s32 $0x1BFF;
	s21 =	sshll.u32 s6, $0x1;
	s3 =	sadd.s32 s19, s18  }
0xa2: {  	s7 =	simm.s32 $0x0;
	s20 =	sshll.u32 s5, $0x1;
	s5 =	sadd.s32 s21, s3  }
0xa3: {  	[timem:s7], [sflag:s22] =	dma.local [hbm:s5], s20  }
0xa4: {  	_ =	swait.ge [sflag:s22], s20  }
0xa5: {  	s4 =	ssub.s32 $0x0, s20;
	[sflag:s22] =	ssyncset.done $0x0  }
0xa6: {  	[sflag:s22] =	ssyncadd.s32 s4;
	_ =	sdelay $0x1  }
0xa7: {  	s23 =	simm.s32 $0x1B8B  }
0xa8: {  	_ =	swait.ge [sflag:s23], $0x1  }
0xa9: {  	[sflag:s23] =	ssyncset.done $0x0  }
0xaa: {  	s25 =	simm.s32 $0x1B8E;
	s24 =	sld [smem:$0x3FFE];
	[sflag:s23] =	ssyncadd.s32 $0xFFFFFFFF  }
0xab: {  	s26 =	simm.s32 $execute0_lowered;
	[smem:$0x3FD2] =	sst s25  }
0xac: {  	s5 =	sshll.u32 s26, $0x1;
	_ =	strace $0x80000046;
	[dreg:$0x1] =	wrdreg $0xFFFFFFFF  }
0xad: {  	s28 =	simm.s32 $_size_execute0_lowered;
	s3 =	sadd.s32 s3, s5;
	[dreg:$0x0] =	wrdreg $0x0  }
0xae: {  	s5 =	sshll.u32 s28, $0x1;
	[dreg:$0x2] =	wrdreg s3  }
0xaf: {  	[dreg:$0x3] =	wrdreg s5  }
0xb0: {  	[dreg:$0x4] =	wrdreg $0xC0  }
0xb1: {  	_ =	task [dreg:s7], $0x5FFFF  }
0xb2: {  	[dreg:$0x1] =	wrdreg $0xFFFFFFFF  }
0xb3: {  	[dreg:$0x0] =	wrdreg $0x60  }
0xb4: {  	[dreg:$0x2] =	wrdreg s24  }
0xb5: {  	[dreg:$0x3] =	wrdreg s16  }
0xb6: {  	[dreg:$0x4] =	wrdreg $0x9  }
0xb7: {  	_ =	task.clear_ibuf [dreg:s7], $0x5FFFF;
	_ =	strace $0x90000046  }
0xb8: {  	s29 =	simm.s32 $0x9;
	_ =	strace $0x80000048  }
0xb9: {  	_ =	swait.ge [sflag:s29], $0x1  }
0xba: {  	[sflag:s29] =	ssyncadd.s32 $0xFFFFFFFF  }
0xbb: {  	_ =	strace $0x90000048  }
0xbc: {  	_ =	sfence  }
0xbd: {  	s30 =	sld [smem:$0x0];
	_ =	sdelay $0x2  }
0xbe: {  	s31 =	sshll.u32 s1, $0xD;
	s1 =	sshrl.u32 s1, $0x2  }
0xbf: {  	s3 =	sand.u32 $0x4000, s31;
	s1 =	sadd.s32 s1, s30  }
0xc0: {  	s0 =	sor.u32 s3, s0;
	s1 =	sshll.u32 s1, $0x11  }
0xc1: {  	s0 =	sor.u32 s1, s0  }
0xc2: {  	s0 =	sadd.s32 $0x8F2B, s0  }
0xc3: {  	[sflag:s0] =	ssyncadd.remote.s32 $0x1  }
0xc4: {  	_ =	sfence.sel $0xFFFF  }
0xc5: {  	[dreg:$0x0] =	wrdreg $0xFFFFFFFF;
	(pc) =	sbr.abs _section_cstart, $3  }
0xc6: {  	[dreg:$0x1] =	wrdreg $0xFFFFFFFF  }
0xc7: {  	_ =	task.clear_ibuf [dreg:s7], $0x2FFFF;
	_ =	strace $0x9FFFFFFF  }
0xc8: {  	(tm) =	ssettm $0x7FFFFFFF  }
0xc9: {  	_ =	shalt  }
tec
execute0_lowered:
.L_overlay_start_1:
0x0: {  	(tag) =	ssettag $0x1  }
0x1: {  	s1 =	srdreg.scid;
	s0 =	stileid.u32  }
0x2: {  	s26 =	sand.u32 $0x1, s1;
	s31 =	sshll.u32 s0, $0x1  }
0x3: {  	s12 =	sor.u32 s26, s31  }
0x4: {  	s5 =	rddreg [dreg:$0x0];
	s3 =	smul.u32 $0x90, s12  }
0x5: {  	s13 =	rddreg [dreg:$0x1];
	s2 =	simm.s32 $0x0  }
0x6: {  	s4 =	simm.s32 $0x3;
	[smem:$0x7FF] =	sst s2;
	s3 =	sadd.s32 s3, s5  }
0x7: {  	s1 =	rddreg [dreg:$0x2];
	_ =	strace $0x80000047;
	s3 =	sadd.s32 $0xB1600, s3  }
0x8: {  	[tilespmem:s2], [sflag:$0x3] =	stream.linear.gather [hbm4b:s3+s2], $0x480, $0x38;
	[tilespmem:$0x8480] =	vst v63  }
0x9: {  	_ =	swait.ge [sflag:s4], $0x480  }
0xa: {  	s6 =	simm.s32 $0x80;
	[sflag:s4] =	ssyncset.done $0x0  }
0xb: {  	s7 =	simm.s32 $0x480;
	s5 =	sadd.s32 $0x1600, s5;
	[sflag:s4] =	ssyncadd.s32 $0xFFFFFB80  }
0xc: {  	[tilespmem:s7], [sflag:$0x1] =	stream.indirect.gather [hbm4b:s5+s6], $0x80, s2, s6, $0xb8;
	[tilespmem:$0x8480] =	vst v63  }
0xd: {  	s8 =	simm.s32 $0x4480;
	s9 =	simm.s32 $0x1  }
0xe: {  	[tilespmem:s8], [sflag:$0x1] =	stream.indirect.gather [hbm4b:s5+s6], $0x80, s6, s6, $0xb8;
	[tilespmem:$0x8480] =	vst v63  }
0xf: {  	s10 =	smul.u32 $0x4800, s12;
	_ =	swait.ge [sflag:s9], $0x4000  }
0x10: {  	[sflag:s9] =	ssyncset.done $0x0  }
0x11: {  	s11 =	sadd.s32 s13, s10;
	s10 =	simm.s32 $0x2;
	[sflag:s9] =	ssyncadd.s32 $0xFFFFC000  }
0x12: {  	[hbm4b:s11+s2] =	stream.linear.scatter [tilespmem:s7], [sflag:$0x2], $0x4000, $0x38;
	[tilespmem:$0x8480] =	vst v63  }
0x13: {  	_ =	swait.ge [sflag:s10], $0x4000  }
0x14: {  	[sflag:s10] =	ssyncset.done $0x0  }
0x15: {  	s14 =	smul.u32 $0x24000, s12;
	s12 =	simm.s32 $0x100;
	[sflag:s10] =	ssyncadd.s32 $0xFFFFC000  }
0x16: {  	[tilespmem:s7], [sflag:$0x1] =	stream.indirect.gather [hbm4b:s5+s6], $0x80, s12, s6, $0xb8;
	[tilespmem:$0x8480] =	vst v63  }
0x17: {  	s14 =	sshrl.u32 s14, $0x3;
	_ =	swait.ge [sflag:s9], $0x4000  }
0x18: {  	s28 =	sadd.s32 s13, s14;
	[sflag:s9] =	ssyncset.done $0x0  }
0x19: {  	s13 =	sadd.s32 $0x800, s28;
	[sflag:s9] =	ssyncadd.s32 $0xFFFFC000  }
0x1a: {  	[hbm4b:s13+s2] =	stream.linear.scatter [tilespmem:s8], [sflag:$0x2], $0x4000, $0x38;
	[tilespmem:$0x8480] =	vst v63  }
0x1b: {  	_ =	swait.ge [sflag:s10], $0x4000  }
0x1c: {  	[sflag:s10] =	ssyncset.done $0x0  }
0x1d: {  	s14 =	simm.s32 $0x180;
	[sflag:s10] =	ssyncadd.s32 $0xFFFFC000  }
0x1e: {  	[tilespmem:s8], [sflag:$0x1] =	stream.indirect.gather [hbm4b:s5+s6], $0x80, s14, s6, $0xb8;
	[tilespmem:$0x8480] =	vst v63  }
0x1f: {  	_ =	swait.ge [sflag:s9], $0x4000  }
0x20: {  	[sflag:s9] =	ssyncset.done $0x0  }
0x21: {  	s15 =	sadd.s32 $0x1000, s28;
	[sflag:s9] =	ssyncadd.s32 $0xFFFFC000  }
0x22: {  	[hbm4b:s15+s2] =	stream.linear.scatter [tilespmem:s7], [sflag:$0x2], $0x4000, $0x38;
	[tilespmem:$0x8480] =	vst v63  }
0x23: {  	_ =	swait.ge [sflag:s10], $0x4000  }
0x24: {  	[sflag:s10] =	ssyncset.done $0x0  }
0x25: {  	s16 =	simm.s32 $0x200;
	[sflag:s10] =	ssyncadd.s32 $0xFFFFC000  }
0x26: {  	[tilespmem:s7], [sflag:$0x1] =	stream.indirect.gather [hbm4b:s5+s6], $0x80, s16, s6, $0xb8;
	[tilespmem:$0x8480] =	vst v63  }
0x27: {  	_ =	swait.ge [sflag:s9], $0x4000  }
0x28: {  	[sflag:s9] =	ssyncset.done $0x0  }
0x29: {  	s17 =	sadd.s32 $0x1800, s28;
	[sflag:s9] =	ssyncadd.s32 $0xFFFFC000  }
0x2a: {  	[hbm4b:s17+s2] =	stream.linear.scatter [tilespmem:s8], [sflag:$0x2], $0x4000, $0x38;
	[tilespmem:$0x8480] =	vst v63  }
0x2b: {  	_ =	swait.ge [sflag:s10], $0x4000  }
0x2c: {  	[sflag:s10] =	ssyncset.done $0x0  }
0x2d: {  	s18 =	simm.s32 $0x280;
	[sflag:s10] =	ssyncadd.s32 $0xFFFFC000  }
0x2e: {  	[tilespmem:s8], [sflag:$0x1] =	stream.indirect.gather [hbm4b:s5+s6], $0x80, s18, s6, $0xb8;
	[tilespmem:$0x8480] =	vst v63  }
0x2f: {  	_ =	swait.ge [sflag:s9], $0x4000  }
0x30: {  	[sflag:s9] =	ssyncset.done $0x0  }
0x31: {  	s19 =	sadd.s32 $0x2000, s28;
	[sflag:s9] =	ssyncadd.s32 $0xFFFFC000  }
0x32: {  	[hbm4b:s19+s2] =	stream.linear.scatter [tilespmem:s7], [sflag:$0x2], $0x4000, $0x38;
	[tilespmem:$0x8480] =	vst v63  }
0x33: {  	_ =	swait.ge [sflag:s10], $0x4000  }
0x34: {  	[sflag:s10] =	ssyncset.done $0x0  }
0x35: {  	s20 =	simm.s32 $0x300;
	[sflag:s10] =	ssyncadd.s32 $0xFFFFC000  }
0x36: {  	[tilespmem:s7], [sflag:$0x1] =	stream.indirect.gather [hbm4b:s5+s6], $0x80, s20, s6, $0xb8;
	[tilespmem:$0x8480] =	vst v63  }
0x37: {  	_ =	swait.ge [sflag:s9], $0x4000  }
0x38: {  	[sflag:s9] =	ssyncset.done $0x0  }
0x39: {  	s21 =	sadd.s32 $0x2800, s28;
	[sflag:s9] =	ssyncadd.s32 $0xFFFFC000  }
0x3a: {  	[hbm4b:s21+s2] =	stream.linear.scatter [tilespmem:s8], [sflag:$0x2], $0x4000, $0x38;
	[tilespmem:$0x8480] =	vst v63  }
0x3b: {  	_ =	swait.ge [sflag:s10], $0x4000  }
0x3c: {  	[sflag:s10] =	ssyncset.done $0x0  }
0x3d: {  	s22 =	simm.s32 $0x380;
	[sflag:s10] =	ssyncadd.s32 $0xFFFFC000  }
0x3e: {  	[tilespmem:s8], [sflag:$0x1] =	stream.indirect.gather [hbm4b:s5+s6], $0x80, s22, s6, $0xb8;
	[tilespmem:$0x8480] =	vst v63  }
0x3f: {  	_ =	swait.ge [sflag:s9], $0x4000  }
0x40: {  	[sflag:s9] =	ssyncset.done $0x0  }
0x41: {  	s23 =	sadd.s32 $0x3000, s28;
	[sflag:s9] =	ssyncadd.s32 $0xFFFFC000  }
0x42: {  	[hbm4b:s23+s2] =	stream.linear.scatter [tilespmem:s7], [sflag:$0x2], $0x4000, $0x38;
	[tilespmem:$0x8480] =	vst v63  }
0x43: {  	_ =	swait.ge [sflag:s10], $0x4000  }
0x44: {  	[sflag:s10] =	ssyncset.done $0x0  }
0x45: {  	s24 =	simm.s32 $0x400;
	[sflag:s10] =	ssyncadd.s32 $0xFFFFC000  }
0x46: {  	[tilespmem:s7], [sflag:$0x1] =	stream.indirect.gather [hbm4b:s5+s6], $0x80, s24, s6, $0xb8;
	[tilespmem:$0x8480] =	vst v63  }
0x47: {  	_ =	swait.ge [sflag:s9], $0x4000  }
0x48: {  	[sflag:s9] =	ssyncset.done $0x0  }
0x49: {  	s26 =	ssub.s32 $0x2, s26;
	s25 =	sadd.s32 $0x3800, s28;
	[sflag:s9] =	ssyncadd.s32 $0xFFFFC000  }
0x4a: {  	[hbm4b:s25+s2] =	stream.linear.scatter [tilespmem:s8], [sflag:$0x2], $0x4000, $0x38;
	[tilespmem:$0x8480] =	vst v63  }
0x4b: {  	s29 =	sshrl.u32 s26, $0x1;
	_ =	swait.ge [sflag:s10], $0x4000  }
0x4c: {  	s29 =	ssub.s32 s26, s29;
	[sflag:s10] =	ssyncset.done $0x0  }
0x4d: {  	s26 =	sadd.s32 $0x4000, s28;
	s28 =	smax.u32 s29, $0x1;
	[sflag:s10] =	ssyncadd.s32 $0xFFFFC000  }
0x4e: {  	p0 =	sne.s32 s28, $0x1;
	_ =	swait.ge [sflag:s9], $0x4000  }
.Ltmp0:
0x4f: {  	[sflag:s9] =	ssyncset.done $0x0;
	(pc) =	sbr.rel @!p0 .LBB2_2-.Ltmp0, $4  }
0x50: {  	[sflag:s9] =	ssyncadd.s32 $0xFFFFC000  }
0x51: {  	[hbm4b:s26+s2] =	stream.linear.scatter [tilespmem:s7], [sflag:$0x2], $0x4000, $0x38;
	[tilespmem:$0x8480] =	vst v63  }
0x52: {  	_ =	swait.ge [sflag:s10], $0x4000  }
0x53: {  	s28 =	sadd.s32 $0xFFFFFFFF, s28;
	[sflag:s10] =	ssyncset.done $0x0  }
.LBB2_1:
0x54: {  	p0 =	sne.s32 s28, $0x1;
	s28 =	sadd.s32 $0xFFFFFFFF, s28;
	[sflag:s10] =	ssyncadd.s32 $0xFFFFC000  }
0x55: {  	[tilespmem:s2], [sflag:$0x3] =	stream.linear.gather [hbm4b:s3+s2], $0x480, $0x38;
	[tilespmem:$0x8480] =	vst v63  }
0x56: {  	_ =	swait.ge [sflag:s4], $0x480  }
0x57: {  	[sflag:s4] =	ssyncset.done $0x0  }
0x58: {  	[sflag:s4] =	ssyncadd.s32 $0xFFFFFB80  }
0x59: {  	[tilespmem:s7], [sflag:$0x1] =	stream.indirect.gather [hbm4b:s5+s6], $0x80, s2, s6, $0xb8;
	[tilespmem:$0x8480] =	vst v63  }
0x5a: {  	_ = 	snop  }
0x5b: {  	[tilespmem:s8], [sflag:$0x1] =	stream.indirect.gather [hbm4b:s5+s6], $0x80, s6, s6, $0xb8;
	[tilespmem:$0x8480] =	vst v63  }
0x5c: {  	_ =	swait.ge [sflag:s9], $0x4000  }
0x5d: {  	[sflag:s9] =	ssyncset.done $0x0  }
0x5e: {  	[sflag:s9] =	ssyncadd.s32 $0xFFFFC000  }
0x5f: {  	[hbm4b:s11+s2] =	stream.linear.scatter [tilespmem:s7], [sflag:$0x2], $0x4000, $0x38;
	[tilespmem:$0x8480] =	vst v63  }
0x60: {  	_ =	swait.ge [sflag:s10], $0x4000  }
0x61: {  	[sflag:s10] =	ssyncset.done $0x0  }
0x62: {  	[sflag:s10] =	ssyncadd.s32 $0xFFFFC000  }
0x63: {  	[tilespmem:s7], [sflag:$0x1] =	stream.indirect.gather [hbm4b:s5+s6], $0x80, s12, s6, $0xb8;
	[tilespmem:$0x8480] =	vst v63  }
0x64: {  	_ =	swait.ge [sflag:s9], $0x4000  }
0x65: {  	[sflag:s9] =	ssyncset.done $0x0  }
0x66: {  	[sflag:s9] =	ssyncadd.s32 $0xFFFFC000  }
0x67: {  	[hbm4b:s13+s2] =	stream.linear.scatter [tilespmem:s8], [sflag:$0x2], $0x4000, $0x38;
	[tilespmem:$0x8480] =	vst v63  }
0x68: {  	_ =	swait.ge [sflag:s10], $0x4000  }
0x69: {  	[sflag:s10] =	ssyncset.done $0x0  }
0x6a: {  	[sflag:s10] =	ssyncadd.s32 $0xFFFFC000  }
0x6b: {  	[tilespmem:s8], [sflag:$0x1] =	stream.indirect.gather [hbm4b:s5+s6], $0x80, s14, s6, $0xb8;
	[tilespmem:$0x8480] =	vst v63  }
0x6c: {  	_ =	swait.ge [sflag:s9], $0x4000  }
0x6d: {  	[sflag:s9] =	ssyncset.done $0x0  }
0x6e: {  	[sflag:s9] =	ssyncadd.s32 $0xFFFFC000  }
0x6f: {  	[hbm4b:s15+s2] =	stream.linear.scatter [tilespmem:s7], [sflag:$0x2], $0x4000, $0x38;
	[tilespmem:$0x8480] =	vst v63  }
0x70: {  	_ =	swait.ge [sflag:s10], $0x4000  }
0x71: {  	[sflag:s10] =	ssyncset.done $0x0  }
0x72: {  	[sflag:s10] =	ssyncadd.s32 $0xFFFFC000  }
0x73: {  	[tilespmem:s7], [sflag:$0x1] =	stream.indirect.gather [hbm4b:s5+s6], $0x80, s16, s6, $0xb8;
	[tilespmem:$0x8480] =	vst v63  }
0x74: {  	_ =	swait.ge [sflag:s9], $0x4000  }
0x75: {  	[sflag:s9] =	ssyncset.done $0x0  }
0x76: {  	[sflag:s9] =	ssyncadd.s32 $0xFFFFC000  }
0x77: {  	[hbm4b:s17+s2] =	stream.linear.scatter [tilespmem:s8], [sflag:$0x2], $0x4000, $0x38;
	[tilespmem:$0x8480] =	vst v63  }
0x78: {  	_ =	swait.ge [sflag:s10], $0x4000  }
0x79: {  	[sflag:s10] =	ssyncset.done $0x0  }
0x7a: {  	[sflag:s10] =	ssyncadd.s32 $0xFFFFC000  }
0x7b: {  	[tilespmem:s8], [sflag:$0x1] =	stream.indirect.gather [hbm4b:s5+s6], $0x80, s18, s6, $0xb8;
	[tilespmem:$0x8480] =	vst v63  }
0x7c: {  	_ =	swait.ge [sflag:s9], $0x4000  }
0x7d: {  	[sflag:s9] =	ssyncset.done $0x0  }
0x7e: {  	[sflag:s9] =	ssyncadd.s32 $0xFFFFC000  }
0x7f: {  	[hbm4b:s19+s2] =	stream.linear.scatter [tilespmem:s7], [sflag:$0x2], $0x4000, $0x38;
	[tilespmem:$0x8480] =	vst v63  }
0x80: {  	_ =	swait.ge [sflag:s10], $0x4000  }
0x81: {  	[sflag:s10] =	ssyncset.done $0x0  }
0x82: {  	[sflag:s10] =	ssyncadd.s32 $0xFFFFC000  }
0x83: {  	[tilespmem:s7], [sflag:$0x1] =	stream.indirect.gather [hbm4b:s5+s6], $0x80, s20, s6, $0xb8;
	[tilespmem:$0x8480] =	vst v63  }
0x84: {  	_ =	swait.ge [sflag:s9], $0x4000  }
0x85: {  	[sflag:s9] =	ssyncset.done $0x0  }
0x86: {  	[sflag:s9] =	ssyncadd.s32 $0xFFFFC000  }
0x87: {  	[hbm4b:s21+s2] =	stream.linear.scatter [tilespmem:s8], [sflag:$0x2], $0x4000, $0x38;
	[tilespmem:$0x8480] =	vst v63  }
0x88: {  	_ =	swait.ge [sflag:s10], $0x4000  }
0x89: {  	[sflag:s10] =	ssyncset.done $0x0  }
0x8a: {  	[sflag:s10] =	ssyncadd.s32 $0xFFFFC000  }
0x8b: {  	[tilespmem:s8], [sflag:$0x1] =	stream.indirect.gather [hbm4b:s5+s6], $0x80, s22, s6, $0xb8;
	[tilespmem:$0x8480] =	vst v63  }
0x8c: {  	_ =	swait.ge [sflag:s9], $0x4000  }
0x8d: {  	[sflag:s9] =	ssyncset.done $0x0  }
0x8e: {  	[sflag:s9] =	ssyncadd.s32 $0xFFFFC000  }
0x8f: {  	[hbm4b:s23+s2] =	stream.linear.scatter [tilespmem:s7], [sflag:$0x2], $0x4000, $0x38;
	[tilespmem:$0x8480] =	vst v63  }
0x90: {  	_ =	swait.ge [sflag:s10], $0x4000  }
0x91: {  	[sflag:s10] =	ssyncset.done $0x0  }
0x92: {  	[sflag:s10] =	ssyncadd.s32 $0xFFFFC000  }
0x93: {  	[tilespmem:s7], [sflag:$0x1] =	stream.indirect.gather [hbm4b:s5+s6], $0x80, s24, s6, $0xb8;
	[tilespmem:$0x8480] =	vst v63  }
0x94: {  	_ =	swait.ge [sflag:s9], $0x4000  }
0x95: {  	[sflag:s9] =	ssyncset.done $0x0  }
0x96: {  	[sflag:s9] =	ssyncadd.s32 $0xFFFFC000  }
0x97: {  	[hbm4b:s25+s2] =	stream.linear.scatter [tilespmem:s8], [sflag:$0x2], $0x4000, $0x38;
	[tilespmem:$0x8480] =	vst v63  }
0x98: {  	_ =	swait.ge [sflag:s10], $0x4000  }
0x99: {  	[sflag:s10] =	ssyncset.done $0x0  }
0x9a: {  	[sflag:s10] =	ssyncadd.s32 $0xFFFFC000  }
0x9b: {  	_ =	swait.ge [sflag:s9], $0x4000  }
.Ltmp1:
0x9c: {  	[sflag:s9] =	ssyncset.done $0x0;
	(pc) =	sbr.rel @p0 .LBB2_1-.Ltmp1, $4  }
0x9d: {  	[sflag:s9] =	ssyncadd.s32 $0xFFFFC000  }
0x9e: {  	[hbm4b:s26+s2] =	stream.linear.scatter [tilespmem:s7], [sflag:$0x2], $0x4000, $0x38;
	[tilespmem:$0x8480] =	vst v63  }
0x9f: {  	_ =	swait.ge [sflag:s10], $0x4000  }
0xa0: {  	[sflag:s10] =	ssyncset.done $0x0  }
.LBB2_2:
0xa1: {  	[sflag:s10] =	ssyncadd.s32 $0xFFFFC000  }
0xa2: {  	_ =	sfence.sel $0x180000  }
0xa3: {  	[bflag:$0x0] =	sbarrier.arrive $0xFFFF  }
0xa4: {  	p0 =	sne.s32 s0, $0x0;
	_ =	strace $0x90000047  }
0xa5: {  	s0 =	sadd.s32 @!p0 $0x100000, s1;
	[bflag:$0x2] =	sbarrier.arrive $0xFFFF  }
0xa6: {  	[sflag:s0] =	ssyncadd.tile.s32 @!p0 $0x1;
	_ =	shalt  }
.Lfunc_end2:
_tile_overlayer_lowered:
.L_overlay_start_2:
0xa7: {  	(tag) =	ssettag $0x2  }
0xa8: {  	s0 =	rddreg [dreg:$0x0];
	s2 =	stileid.u32  }
0xa9: {  	s1 =	rddreg [dreg:$0x1];
	p0 =	sne.s32 s2, $0x0  }
0xaa: {  	s3 =	rddreg [dreg:$0x2];
	[bflag:$0x3] =	sbarrier.arrive $0xFFFF;
	s2 =	simm.s32 @!p0 $0x1C03  }
0xab: {  	[timem:s3], [sflag:s2] =	dma.local @!p0 [hbm:s0], s1  }
0xac: {  	s0 =	simm.s32 @!p0 $0x3  }
0xad: {  	_ =	swait.ge @!p0 [sflag:s0], s1  }
0xae: {  	s1 =	ssub.s32 @!p0 $0x0, s1;
	[sflag:s0] =	ssyncset.done @!p0 $0x0  }
0xaf: {  	[sflag:s0] =	ssyncadd.s32 @!p0 s1  }
0xb0: {  	[bflag:$0x3] =	sbarrier.arrive $0xFFFF  }
0xb1: {  	_ =	shalt  }

</sc_bundles>
